<compile_context>
chip_gen: v7x
topology: tpu7x:2x2x1
jax: 0.10.2.dev20260603
libtpu: 0.0.44.dev20260713+nightly
codegen_flags: <defaults>
</compile_context>

<pallas_src>
import functools

import jax
import jax.numpy as jnp
from jax import lax
from jax.experimental import pallas as pl
from jax.experimental.pallas import tpu as pltpu
from jax.experimental.pallas import tpu_sc as plsc

N = 10000
NP = 10240
E = 320000
DIN = 128
DOUT = 256

NC = 2
NS = 16
NW = NC * NS
EPW = E // NW
CH = 80
NCHUNK = EPW // CH
RR = 4
LG = 3
SS = 6
RPT = NP // NS


def _sc_aggregate(x, src, dst):
    mesh = plsc.VectorSubcoreMesh(
        core_axis_name="c", subcore_axis_name="s", num_cores=NC, num_subcores=NS
    )

    @functools.partial(
        pl.kernel,
        out_type=(
            jax.ShapeDtypeStruct((NC, NP, DIN), jnp.float32),
            jax.ShapeDtypeStruct((NC, NP), jnp.float32),
        ),
        mesh=mesh,
        scratch_types=(
            pltpu.VMEM_SHARED((NP, DIN), jnp.float32),
            pltpu.VMEM_SHARED((NP,), jnp.float32),
            pltpu.VMEM((SS, CH), jnp.int32),
            pltpu.VMEM((SS, CH), jnp.int32),
            pltpu.VMEM((RR, CH, DIN), jnp.float32),
            pltpu.VMEM((CH,), jnp.float32),
            pltpu.VMEM((RPT,), jnp.float32),
            pltpu.SemaphoreType.DMA((RR,)),
            pltpu.SemaphoreType.DMA((RR,)),
            pltpu.SemaphoreType.DMA((SS,)),
        ),
    )
    def k(x_hbm, src_hbm, dst_hbm, psum_hbm, pcnt_hbm,
          acc, cnt, srcix, dstix, rows, ones, zrow, gsem, ssem, isem):
        cid = lax.axis_index("c")
        sid = lax.axis_index("s")
        wid = sid * NC + cid
        base = wid * EPW

        def load_idx(j, slot):
            pltpu.async_copy(src_hbm.at[pl.ds(base + j * CH, CH)],
                             srcix.at[slot], isem.at[slot])
            pltpu.async_copy(dst_hbm.at[pl.ds(base + j * CH, CH)],
                             dstix.at[slot], isem.at[slot])

        def wait_idx(slot):
            pltpu.make_async_copy(src_hbm.at[pl.ds(0, CH)],
                                  srcix.at[slot], isem.at[slot]).wait()
            pltpu.make_async_copy(dst_hbm.at[pl.ds(0, CH)],
                                  dstix.at[slot], isem.at[slot]).wait()

        for j in range(LG + 2):
            load_idx(j, j)
        for j in range(1, LG):
            wait_idx(j)
            pltpu.async_copy(x_hbm.at[srcix.at[j]], rows.at[j], gsem.at[j])

        for i in range(CH // 16):
            ones[pl.ds(i * 16, 16)] = jnp.ones((16,), jnp.float32)
        for i in range(RPT // 16):
            zrow[pl.ds(i * 16, 16)] = jnp.zeros((16,), jnp.float32)

        def zfill(r, _):
            def zcol(c, _):
                rows[0, r, pl.ds(c * 16, 16)] = jnp.zeros((16,), jnp.float32)
                return ()
            lax.fori_loop(0, DIN // 16, zcol, ())
            return ()

        lax.fori_loop(0, CH, zfill, ())

        r0 = pl.multiple_of(sid * RPT, 128)
        for i in range(RPT // CH):
            pltpu.sync_copy(rows.at[0], acc.at[pl.ds(r0 + i * CH, CH)])
        pltpu.sync_copy(zrow, cnt.at[pl.ds(r0, RPT)])

        wait_idx(0)
        pltpu.async_copy(x_hbm.at[srcix.at[0]], rows.at[0], gsem.at[0])

        plsc.subcore_barrier()

        def wait_scatter(slot):
            pltpu.make_async_copy(rows.at[slot], acc.at[dstix.at[0]],
                                  ssem.at[slot]).wait()
            pltpu.make_async_copy(ones, cnt.at[dstix.at[0]],
                                  ssem.at[slot]).wait()

        def body(j, _):
            br = lax.rem(j, RR)
            si = lax.rem(j, SS)
            pltpu.make_async_copy(
                x_hbm.at[srcix.at[si]], rows.at[br], gsem.at[br]
            ).wait()

            @pl.when(j + LG < NCHUNK)
            def _():
                nbr = lax.rem(j + LG, RR)
                nsi = lax.rem(j + LG, SS)

                @pl.when(j >= 1)
                def _():
                    wait_scatter(nbr)

                wait_idx(nsi)
                pltpu.async_copy(
                    x_hbm.at[srcix.at[nsi]], rows.at[nbr], gsem.at[nbr]
                )

            pltpu.async_copy(rows.at[br], acc.at[dstix.at[si]],
                             ssem.at[br], add=True)
            pltpu.async_copy(ones, cnt.at[dstix.at[si]],
                             ssem.at[br], add=True)

            @pl.when(j + LG + 2 < NCHUNK)
            def _():
                load_idx(j + LG + 2, lax.rem(j + LG + 2, SS))

            return ()

        lax.fori_loop(0, NCHUNK, body, (), unroll=False)

        for j in range(NCHUNK - RR, NCHUNK):
            wait_scatter(j % RR)

        plsc.subcore_barrier()

        w1 = pltpu.async_copy(acc.at[pl.ds(r0, RPT)],
                              psum_hbm.at[cid, pl.ds(r0, RPT)], gsem.at[0])
        w2 = pltpu.async_copy(cnt.at[pl.ds(r0, RPT)],
                              pcnt_hbm.at[cid, pl.ds(r0, RPT)], gsem.at[0])
        w1.wait()
        w2.wait()

    return k(x, src, dst)


BR = 2048


def _dense_a_body(x_ref, wr_ref, bl_ref, o_ref):
    hi = jax.lax.Precision.HIGHEST
    o_ref[...] = jnp.dot(x_ref[...], wr_ref[...], precision=hi) + bl_ref[...]


def _dense_a(x, wr_t, bl):
    grid = (pl.cdiv(N, BR),)
    return pl.pallas_call(
        _dense_a_body,
        grid=grid,
        in_specs=[
            pl.BlockSpec((BR, DIN), lambda i: (i, 0)),
            pl.BlockSpec((DIN, DOUT), lambda i: (0, 0)),
            pl.BlockSpec((1, DOUT), lambda i: (0, 0)),
        ],
        out_specs=pl.BlockSpec((BR, DOUT), lambda i: (i, 0)),
        out_shape=jax.ShapeDtypeStruct((N, DOUT), jnp.float32),
    )(x, wr_t, bl)


def _dense_b_body(ps_ref, pc_ref, a_ref, wl_ref, o_ref):
    s = ps_ref[0] + ps_ref[1]
    c = pc_ref[0] + pc_ref[1]
    inv = 1.0 / jnp.clip(c, 1.0, None)
    mean = s * inv[:, None]
    hi = jax.lax.Precision.HIGHEST
    o_ref[...] = jnp.dot(mean, wl_ref[...], precision=hi) + a_ref[...]


def _dense_b(psum, pcnt, a, wl_t):
    grid = (pl.cdiv(N, BR),)
    return pl.pallas_call(
        _dense_b_body,
        grid=grid,
        in_specs=[
            pl.BlockSpec((NC, BR, DIN), lambda i: (0, i, 0)),
            pl.BlockSpec((NC, BR), lambda i: (0, i)),
            pl.BlockSpec((BR, DOUT), lambda i: (i, 0)),
            pl.BlockSpec((DIN, DOUT), lambda i: (0, 0)),
        ],
        out_specs=pl.BlockSpec((BR, DOUT), lambda i: (i, 0)),
        out_shape=jax.ShapeDtypeStruct((N, DOUT), jnp.float32),
    )(psum, pcnt, a, wl_t)


def kernel(x, edge_index, W_l, b_l, W_r):
    src = edge_index[0]
    dst = edge_index[1]
    psum, pcnt = _sc_aggregate(x, src, dst)
    a = _dense_a(x, W_r.T, b_l.reshape(1, DOUT))
    return _dense_b(psum, pcnt, a, W_l.T)

# --- scband reference (transcript-rebuilt; emitter-appended) ---
"""Pipeline reference for scband-graph-conv-69475390980371 (READ-ONLY COPY).

The authoritative reference and input builder live on the scoring server;
editing this copy changes nothing except your own understanding.
"""

import jax, jax.numpy as jnp
import numpy as np

N_NODES = 10000
N_EDGES = 320000
D_IN = 128
D_OUT = 256  # hidden_channels * 2 = 128 * 2


def setup_inputs(seed: int = 0) -> dict:
    key = jax.random.key(seed)
    k1, k2, k3, k4, k5 = jax.random.split(key, 5)
    x = jax.random.normal(k1, (N_NODES, D_IN), dtype=jnp.float32)
    edge_index = jax.random.randint(k2, (2, N_EDGES), 0, N_NODES, dtype=jnp.int32)
    # SAGEConv parameters: lin_l (neighbor transform, with bias), lin_r (root transform, no bias)
    stdv = 1.0 / np.sqrt(D_IN)
    W_l = jax.random.uniform(k3, (D_OUT, D_IN), minval=-stdv, maxval=stdv, dtype=jnp.float32)
    b_l = jax.random.uniform(k4, (D_OUT,), minval=-stdv, maxval=stdv, dtype=jnp.float32)
    W_r = jax.random.uniform(k5, (D_OUT, D_IN), minval=-stdv, maxval=stdv, dtype=jnp.float32)
    return {"x": x, "edge_index": edge_index, "W_l": W_l, "b_l": b_l, "W_r": W_r}


def reference(x, edge_index, W_l, b_l, W_r):
    # torch_geometric SAGEConv (aggr='mean', root_weight=True, normalize=False):
    #   out = lin_l(mean_{j in N(i)} x_j) + lin_r(x_i)
    src = edge_index[0]
    dst = edge_index[1]
    # gather source-node features along edges (memory-bound gather)
    msgs = jnp.take(x, src, axis=0)
    # scatter-add into destination nodes (segment sum) + degree count for mean
    summed = jax.ops.segment_sum(msgs, dst, num_segments=N_NODES)
    cnt = jax.ops.segment_sum(jnp.ones((N_EDGES, 1), dtype=x.dtype), dst, num_segments=N_NODES)
    mean_aggr = summed / jnp.clip(cnt, 1.0, None)
    out = mean_aggr @ W_l.T + b_l + x @ W_r.T
    return out

if __name__ == "__main__":
    import jax
    _d = setup_inputs()
    print(jax.jit(kernel)(*tuple(_d.values())))

</pallas_src>

<mosaic_0001>
#map = affine_map<(d0, d1) -> (0, 0)>
#map1 = affine_map<(d0, d1) -> (0)>
#map2 = affine_map<(d0, d1) -> (0, 0, 0)>
module attributes {stable_mosaic.version = 14 : i64} {
  func.func @k(%arg0: i32, %arg1: i32, %arg2: memref<10000x128xf32, #tpu.memory_space<hbm>>, %arg3: memref<320000xi32, #tpu.memory_space<hbm>>, %arg4: memref<320000xi32, #tpu.memory_space<hbm>>, %arg5: memref<2x10240x128xf32, #tpu.memory_space<hbm>>, %arg6: memref<2x10240xf32, #tpu.memory_space<hbm>>, %arg7: memref<10240x128xf32, #tpu.memory_space<vmem_shared>>, %arg8: memref<10240xf32, #tpu.memory_space<vmem_shared>>, %arg9: memref<6x80xi32, #tpu.memory_space<vmem>>, %arg10: memref<6x80xi32, #tpu.memory_space<vmem>>, %arg11: memref<4x80x128xf32, #tpu.memory_space<vmem>>, %arg12: memref<80xf32, #tpu.memory_space<vmem>>, %arg13: memref<640xf32, #tpu.memory_space<vmem>>, %arg14: memref<4x!tpu.dma_semaphore, #tpu.memory_space<semaphore_mem>>, %arg15: memref<4x!tpu.dma_semaphore, #tpu.memory_space<semaphore_mem>>, %arg16: memref<6x!tpu.dma_semaphore, #tpu.memory_space<semaphore_mem>>) attributes {dimension_semantics = [#tpu.dimension_semantics<core_parallel>, #tpu.dimension_semantics<subcore_parallel>], iteration_bounds = array<i64: 2, 16>, scalar_prefetch = 0 : i64, scratch_operands = 10 : i64, tpu.core_type = #tpu.core_type<sc_vector_subcore>, window_params = [{transform_indices = #map}, {transform_indices = #map1}, {transform_indices = #map1}, {transform_indices = #map2}, {transform_indices = #map}]} {
    %mul3A = arith.constant 2 : i32
    %mul3A_0 = arith.muli %arg1, %mul3A : i32
    %add3A = arith.addi %mul3A_0, %arg0 : i32
    %mul3A_1 = arith.constant 10000 : i32
    %mul3A_2 = arith.muli %add3A, %mul3A_1 : i32
    %add3A_3 = arith.constant 0 : i32
    %add3A_4 = arith.addi %mul3A_2, %add3A_3 : i32
    %dma_start3A = arith.constant 0 : i32
    %dma_start3A_5 = arith.constant 0 : i32
    %dma_start3A_6 = arith.constant 0 : i32
    %dma_start3A_7 = tpu.memref_slice %arg9[%dma_start3A, %dma_start3A_6] : memref<6x80xi32, #tpu.memory_space<vmem>> -> memref<1x80xi32, #tpu.memory_space<vmem>>
    %dma_start3A_8 = tpu.memref_squeeze %dma_start3A_7 : memref<1x80xi32, #tpu.memory_space<vmem>> -> memref<80xi32, #tpu.memory_space<vmem>>
    %dma_start3A_9 = tpu.memref_slice %arg3[%add3A_4] : memref<320000xi32, #tpu.memory_space<hbm>> -> memref<80xi32, #tpu.memory_space<hbm>>
    %dma_start3A_10 = tpu.memref_slice %arg16[%dma_start3A_5] : memref<6x!tpu.dma_semaphore, #tpu.memory_space<semaphore_mem>> -> memref<1x!tpu.dma_semaphore, #tpu.memory_space<semaphore_mem>>
    %dma_start3A_11 = tpu.memref_squeeze %dma_start3A_10 : memref<1x!tpu.dma_semaphore, #tpu.memory_space<semaphore_mem>> -> memref<!tpu.dma_semaphore, #tpu.memory_space<semaphore_mem>>
    %dma_start3A_12 = arith.constant 0 : i32
    %dma_start3A_13 = tpu.memref_slice %arg9[%dma_start3A, %dma_start3A_12] : memref<6x80xi32, #tpu.memory_space<vmem>> -> memref<1x80xi32, #tpu.memory_space<vmem>>
    %dma_start3A_14 = tpu.memref_squeeze %dma_start3A_13 : memref<1x80xi32, #tpu.memory_space<vmem>> -> memref<80xi32, #tpu.memory_space<vmem>>
    %dma_start3A_15 = tpu.memref_slice %arg3[%add3A_4] : memref<320000xi32, #tpu.memory_space<hbm>> -> memref<80xi32, #tpu.memory_space<hbm>>
    tpu.enqueue_dma source(%dma_start3A_15 : memref<80xi32, #tpu.memory_space<hbm>>) target(%dma_start3A_14 : memref<80xi32, #tpu.memory_space<vmem>>) target_semaphore(%dma_start3A_11 : memref<!tpu.dma_semaphore, #tpu.memory_space<semaphore_mem>>)
    %add3A_16 = arith.constant 0 : i32
    %add3A_17 = arith.addi %mul3A_2, %add3A_16 : i32
    %dma_start3A_18 = arith.constant 0 : i32
    %dma_start3A_19 = arith.constant 0 : i32
    %dma_start3A_20 = arith.constant 0 : i32
    %dma_start3A_21 = tpu.memref_slice %arg10[%dma_start3A_18, %dma_start3A_20] : memref<6x80xi32, #tpu.memory_space<vmem>> -> memref<1x80xi32, #tpu.memory_space<vmem>>
    %dma_start3A_22 = tpu.memref_squeeze %dma_start3A_21 : memref<1x80xi32, #tpu.memory_space<vmem>> -> memref<80xi32, #tpu.memory_space<vmem>>
    %dma_start3A_23 = tpu.memref_slice %arg4[%add3A_17] : memref<320000xi32, #tpu.memory_space<hbm>> -> memref<80xi32, #tpu.memory_space<hbm>>
    %dma_start3A_24 = tpu.memref_slice %arg16[%dma_start3A_19] : memref<6x!tpu.dma_semaphore, #tpu.memory_space<semaphore_mem>> -> memref<1x!tpu.dma_semaphore, #tpu.memory_space<semaphore_mem>>
    %dma_start3A_25 = tpu.memref_squeeze %dma_start3A_24 : memref<1x!tpu.dma_semaphore, #tpu.memory_space<semaphore_mem>> -> memref<!tpu.dma_semaphore, #tpu.memory_space<semaphore_mem>>
    %dma_start3A_26 = arith.constant 0 : i32
    %dma_start3A_27 = tpu.memref_slice %arg10[%dma_start3A_18, %dma_start3A_26] : memref<6x80xi32, #tpu.memory_space<vmem>> -> memref<1x80xi32, #tpu.memory_space<vmem>>
    %dma_start3A_28 = tpu.memref_squeeze %dma_start3A_27 : memref<1x80xi32, #tpu.memory_space<vmem>> -> memref<80xi32, #tpu.memory_space<vmem>>
    %dma_start3A_29 = tpu.memref_slice %arg4[%add3A_17] : memref<320000xi32, #tpu.memory_space<hbm>> -> memref<80xi32, #tpu.memory_space<hbm>>
    tpu.enqueue_dma source(%dma_start3A_29 : memref<80xi32, #tpu.memory_space<hbm>>) target(%dma_start3A_28 : memref<80xi32, #tpu.memory_space<vmem>>) target_semaphore(%dma_start3A_25 : memref<!tpu.dma_semaphore, #tpu.memory_space<semaphore_mem>>)
    %add3A_30 = arith.constant 80 : i32
    %add3A_31 = arith.addi %mul3A_2, %add3A_30 : i32
    %dma_start3A_32 = arith.constant 1 : i32
    %dma_start3A_33 = arith.constant 1 : i32
    %dma_start3A_34 = arith.constant 0 : i32
    %dma_start3A_35 = tpu.memref_slice %arg9[%dma_start3A_32, %dma_start3A_34] : memref<6x80xi32, #tpu.memory_space<vmem>> -> memref<1x80xi32, #tpu.memory_space<vmem>>
    %dma_start3A_36 = tpu.memref_squeeze %dma_start3A_35 : memref<1x80xi32, #tpu.memory_space<vmem>> -> memref<80xi32, #tpu.memory_space<vmem>>
    %dma_start3A_37 = tpu.memref_slice %arg3[%add3A_31] : memref<320000xi32, #tpu.memory_space<hbm>> -> memref<80xi32, #tpu.memory_space<hbm>>
    %dma_start3A_38 = tpu.memref_slice %arg16[%dma_start3A_33] : memref<6x!tpu.dma_semaphore, #tpu.memory_space<semaphore_mem>> -> memref<1x!tpu.dma_semaphore, #tpu.memory_space<semaphore_mem>>
    %dma_start3A_39 = tpu.memref_squeeze %dma_start3A_38 : memref<1x!tpu.dma_semaphore, #tpu.memory_space<semaphore_mem>> -> memref<!tpu.dma_semaphore, #tpu.memory_space<semaphore_mem>>
    %dma_start3A_40 = arith.constant 0 : i32
    %dma_start3A_41 = tpu.memref_slice %arg9[%dma_start3A_32, %dma_start3A_40] : memref<6x80xi32, #tpu.memory_space<vmem>> -> memref<1x80xi32, #tpu.memory_space<vmem>>
    %dma_start3A_42 = tpu.memref_squeeze %dma_start3A_41 : memref<1x80xi32, #tpu.memory_space<vmem>> -> memref<80xi32, #tpu.memory_space<vmem>>
    %dma_start3A_43 = tpu.memref_slice %arg3[%add3A_31] : memref<320000xi32, #tpu.memory_space<hbm>> -> memref<80xi32, #tpu.memory_space<hbm>>
    tpu.enqueue_dma source(%dma_start3A_43 : memref<80xi32, #tpu.memory_space<hbm>>) target(%dma_start3A_42 : memref<80xi32, #tpu.memory_space<vmem>>) target_semaphore(%dma_start3A_39 : memref<!tpu.dma_semaphore, #tpu.memory_space<semaphore_mem>>)
    %add3A_44 = arith.constant 80 : i32
    %add3A_45 = arith.addi %mul3A_2, %add3A_44 : i32
    %dma_start3A_46 = arith.constant 1 : i32
    %dma_start3A_47 = arith.constant 1 : i32
    %dma_start3A_48 = arith.constant 0 : i32
    %dma_start3A_49 = tpu.memref_slice %arg10[%dma_start3A_46, %dma_start3A_48] : memref<6x80xi32, #tpu.memory_space<vmem>> -> memref<1x80xi32, #tpu.memory_space<vmem>>
    %dma_start3A_50 = tpu.memref_squeeze %dma_start3A_49 : memref<1x80xi32, #tpu.memory_space<vmem>> -> memref<80xi32, #tpu.memory_space<vmem>>
    %dma_start3A_51 = tpu.memref_slice %arg4[%add3A_45] : memref<320000xi32, #tpu.memory_space<hbm>> -> memref<80xi32, #tpu.memory_space<hbm>>
    %dma_start3A_52 = tpu.memref_slice %arg16[%dma_start3A_47] : memref<6x!tpu.dma_semaphore, #tpu.memory_space<semaphore_mem>> -> memref<1x!tpu.dma_semaphore, #tpu.memory_space<semaphore_mem>>
    %dma_start3A_53 = tpu.memref_squeeze %dma_start3A_52 : memref<1x!tpu.dma_semaphore, #tpu.memory_space<semaphore_mem>> -> memref<!tpu.dma_semaphore, #tpu.memory_space<semaphore_mem>>
    %dma_start3A_54 = arith.constant 0 : i32
    %dma_start3A_55 = tpu.memref_slice %arg10[%dma_start3A_46, %dma_start3A_54] : memref<6x80xi32, #tpu.memory_space<vmem>> -> memref<1x80xi32, #tpu.memory_space<vmem>>
    %dma_start3A_56 = tpu.memref_squeeze %dma_start3A_55 : memref<1x80xi32, #tpu.memory_space<vmem>> -> memref<80xi32, #tpu.memory_space<vmem>>
    %dma_start3A_57 = tpu.memref_slice %arg4[%add3A_45] : memref<320000xi32, #tpu.memory_space<hbm>> -> memref<80xi32, #tpu.memory_space<hbm>>
    tpu.enqueue_dma source(%dma_start3A_57 : memref<80xi32, #tpu.memory_space<hbm>>) target(%dma_start3A_56 : memref<80xi32, #tpu.memory_space<vmem>>) target_semaphore(%dma_start3A_53 : memref<!tpu.dma_semaphore, #tpu.memory_space<semaphore_mem>>)
    %add3A_58 = arith.constant 160 : i32
    %add3A_59 = arith.addi %mul3A_2, %add3A_58 : i32
    %dma_start3A_60 = arith.constant 2 : i32
    %dma_start3A_61 = arith.constant 2 : i32
    %dma_start3A_62 = arith.constant 0 : i32
    %dma_start3A_63 = tpu.memref_slice %arg9[%dma_start3A_60, %dma_start3A_62] : memref<6x80xi32, #tpu.memory_space<vmem>> -> memref<1x80xi32, #tpu.memory_space<vmem>>
    %dma_start3A_64 = tpu.memref_squeeze %dma_start3A_63 : memref<1x80xi32, #tpu.memory_space<vmem>> -> memref<80xi32, #tpu.memory_space<vmem>>
    %dma_start3A_65 = tpu.memref_slice %arg3[%add3A_59] : memref<320000xi32, #tpu.memory_space<hbm>> -> memref<80xi32, #tpu.memory_space<hbm>>
    %dma_start3A_66 = tpu.memref_slice %arg16[%dma_start3A_61] : memref<6x!tpu.dma_semaphore, #tpu.memory_space<semaphore_mem>> -> memref<1x!tpu.dma_semaphore, #tpu.memory_space<semaphore_mem>>
    %dma_start3A_67 = tpu.memref_squeeze %dma_start3A_66 : memref<1x!tpu.dma_semaphore, #tpu.memory_space<semaphore_mem>> -> memref<!tpu.dma_semaphore, #tpu.memory_space<semaphore_mem>>
    %dma_start3A_68 = arith.constant 0 : i32
    %dma_start3A_69 = tpu.memref_slice %arg9[%dma_start3A_60, %dma_start3A_68] : memref<6x80xi32, #tpu.memory_space<vmem>> -> memref<1x80xi32, #tpu.memory_space<vmem>>
    %dma_start3A_70 = tpu.memref_squeeze %dma_start3A_69 : memref<1x80xi32, #tpu.memory_space<vmem>> -> memref<80xi32, #tpu.memory_space<vmem>>
    %dma_start3A_71 = tpu.memref_slice %arg3[%add3A_59] : memref<320000xi32, #tpu.memory_space<hbm>> -> memref<80xi32, #tpu.memory_space<hbm>>
    tpu.enqueue_dma source(%dma_start3A_71 : memref<80xi32, #tpu.memory_space<hbm>>) target(%dma_start3A_70 : memref<80xi32, #tpu.memory_space<vmem>>) target_semaphore(%dma_start3A_67 : memref<!tpu.dma_semaphore, #tpu.memory_space<semaphore_mem>>)
    %add3A_72 = arith.constant 160 : i32
    %add3A_73 = arith.addi %mul3A_2, %add3A_72 : i32
    %dma_start3A_74 = arith.constant 2 : i32
    %dma_start3A_75 = arith.constant 2 : i32
    %dma_start3A_76 = arith.constant 0 : i32
    %dma_start3A_77 = tpu.memref_slice %arg10[%dma_start3A_74, %dma_start3A_76] : memref<6x80xi32, #tpu.memory_space<vmem>> -> memref<1x80xi32, #tpu.memory_space<vmem>>
    %dma_start3A_78 = tpu.memref_squeeze %dma_start3A_77 : memref<1x80xi32, #tpu.memory_space<vmem>> -> memref<80xi32, #tpu.memory_space<vmem>>
    %dma_start3A_79 = tpu.memref_slice %arg4[%add3A_73] : memref<320000xi32, #tpu.memory_space<hbm>> -> memref<80xi32, #tpu.memory_space<hbm>>
    %dma_start3A_80 = tpu.memref_slice %arg16[%dma_start3A_75] : memref<6x!tpu.dma_semaphore, #tpu.memory_space<semaphore_mem>> -> memref<1x!tpu.dma_semaphore, #tpu.memory_space<semaphore_mem>>
    %dma_start3A_81 = tpu.memref_squeeze %dma_start3A_80 : memref<1x!tpu.dma_semaphore, #tpu.memory_space<semaphore_mem>> -> memref<!tpu.dma_semaphore, #tpu.memory_space<semaphore_mem>>
    %dma_start3A_82 = arith.constant 0 : i32
    %dma_start3A_83 = tpu.memref_slice %arg10[%dma_start3A_74, %dma_start3A_82] : memref<6x80xi32, #tpu.memory_space<vmem>> -> memref<1x80xi32, #tpu.memory_space<vmem>>
    %dma_start3A_84 = tpu.memref_squeeze %dma_start3A_83 : memref<1x80xi32, #tpu.memory_space<vmem>> -> memref<80xi32, #tpu.memory_space<vmem>>
    %dma_start3A_85 = tpu.memref_slice %arg4[%add3A_73] : memref<320000xi32, #tpu.memory_space<hbm>> -> memref<80xi32, #tpu.memory_space<hbm>>
    tpu.enqueue_dma source(%dma_start3A_85 : memref<80xi32, #tpu.memory_space<hbm>>) target(%dma_start3A_84 : memref<80xi32, #tpu.memory_space<vmem>>) target_semaphore(%dma_start3A_81 : memref<!tpu.dma_semaphore, #tpu.memory_space<semaphore_mem>>)
    %add3A_86 = arith.constant 240 : i32
    %add3A_87 = arith.addi %mul3A_2, %add3A_86 : i32
    %dma_start3A_88 = arith.constant 3 : i32
    %dma_start3A_89 = arith.constant 3 : i32
    %dma_start3A_90 = arith.constant 0 : i32
    %dma_start3A_91 = tpu.memref_slice %arg9[%dma_start3A_88, %dma_start3A_90] : memref<6x80xi32, #tpu.memory_space<vmem>> -> memref<1x80xi32, #tpu.memory_space<vmem>>
    %dma_start3A_92 = tpu.memref_squeeze %dma_start3A_91 : memref<1x80xi32, #tpu.memory_space<vmem>> -> memref<80xi32, #tpu.memory_space<vmem>>
    %dma_start3A_93 = tpu.memref_slice %arg3[%add3A_87] : memref<320000xi32, #tpu.memory_space<hbm>> -> memref<80xi32, #tpu.memory_space<hbm>>
    %dma_start3A_94 = tpu.memref_slice %arg16[%dma_start3A_89] : memref<6x!tpu.dma_semaphore, #tpu.memory_space<semaphore_mem>> -> memref<1x!tpu.dma_semaphore, #tpu.memory_space<semaphore_mem>>
    %dma_start3A_95 = tpu.memref_squeeze %dma_start3A_94 : memref<1x!tpu.dma_semaphore, #tpu.memory_space<semaphore_mem>> -> memref<!tpu.dma_semaphore, #tpu.memory_space<semaphore_mem>>
    %dma_start3A_96 = arith.constant 0 : i32
    %dma_start3A_97 = tpu.memref_slice %arg9[%dma_start3A_88, %dma_start3A_96] : memref<6x80xi32, #tpu.memory_space<vmem>> -> memref<1x80xi32, #tpu.memory_space<vmem>>
    %dma_start3A_98 = tpu.memref_squeeze %dma_start3A_97 : memref<1x80xi32, #tpu.memory_space<vmem>> -> memref<80xi32, #tpu.memory_space<vmem>>
    %dma_start3A_99 = tpu.memref_slice %arg3[%add3A_87] : memref<320000xi32, #tpu.memory_space<hbm>> -> memref<80xi32, #tpu.memory_space<hbm>>
    tpu.enqueue_dma source(%dma_start3A_99 : memref<80xi32, #tpu.memory_space<hbm>>) target(%dma_start3A_98 : memref<80xi32, #tpu.memory_space<vmem>>) target_semaphore(%dma_start3A_95 : memref<!tpu.dma_semaphore, #tpu.memory_space<semaphore_mem>>)
    %add3A_100 = arith.constant 240 : i32
    %add3A_101 = arith.addi %mul3A_2, %add3A_100 : i32
    %dma_start3A_102 = arith.constant 3 : i32
    %dma_start3A_103 = arith.constant 3 : i32
    %dma_start3A_104 = arith.constant 0 : i32
    %dma_start3A_105 = tpu.memref_slice %arg10[%dma_start3A_102, %dma_start3A_104] : memref<6x80xi32, #tpu.memory_space<vmem>> -> memref<1x80xi32, #tpu.memory_space<vmem>>
    %dma_start3A_106 = tpu.memref_squeeze %dma_start3A_105 : memref<1x80xi32, #tpu.memory_space<vmem>> -> memref<80xi32, #tpu.memory_space<vmem>>
    %dma_start3A_107 = tpu.memref_slice %arg4[%add3A_101] : memref<320000xi32, #tpu.memory_space<hbm>> -> memref<80xi32, #tpu.memory_space<hbm>>
    %dma_start3A_108 = tpu.memref_slice %arg16[%dma_start3A_103] : memref<6x!tpu.dma_semaphore, #tpu.memory_space<semaphore_mem>> -> memref<1x!tpu.dma_semaphore, #tpu.memory_space<semaphore_mem>>
    %dma_start3A_109 = tpu.memref_squeeze %dma_start3A_108 : memref<1x!tpu.dma_semaphore, #tpu.memory_space<semaphore_mem>> -> memref<!tpu.dma_semaphore, #tpu.memory_space<semaphore_mem>>
    %dma_start3A_110 = arith.constant 0 : i32
    %dma_start3A_111 = tpu.memref_slice %arg10[%dma_start3A_102, %dma_start3A_110] : memref<6x80xi32, #tpu.memory_space<vmem>> -> memref<1x80xi32, #tpu.memory_space<vmem>>
    %dma_start3A_112 = tpu.memref_squeeze %dma_start3A_111 : memref<1x80xi32, #tpu.memory_space<vmem>> -> memref<80xi32, #tpu.memory_space<vmem>>
    %dma_start3A_113 = tpu.memref_slice %arg4[%add3A_101] : memref<320000xi32, #tpu.memory_space<hbm>> -> memref<80xi32, #tpu.memory_space<hbm>>
    tpu.enqueue_dma source(%dma_start3A_113 : memref<80xi32, #tpu.memory_space<hbm>>) target(%dma_start3A_112 : memref<80xi32, #tpu.memory_space<vmem>>) target_semaphore(%dma_start3A_109 : memref<!tpu.dma_semaphore, #tpu.memory_space<semaphore_mem>>)
    %add3A_114 = arith.constant 320 : i32
    %add3A_115 = arith.addi %mul3A_2, %add3A_114 : i32
    %dma_start3A_116 = arith.constant 4 : i32
    %dma_start3A_117 = arith.constant 4 : i32
    %dma_start3A_118 = arith.constant 0 : i32
    %dma_start3A_119 = tpu.memref_slice %arg9[%dma_start3A_116, %dma_start3A_118] : memref<6x80xi32, #tpu.memory_space<vmem>> -> memref<1x80xi32, #tpu.memory_space<vmem>>
    %dma_start3A_120 = tpu.memref_squeeze %dma_start3A_119 : memref<1x80xi32, #tpu.memory_space<vmem>> -> memref<80xi32, #tpu.memory_space<vmem>>
    %dma_start3A_121 = tpu.memref_slice %arg3[%add3A_115] : memref<320000xi32, #tpu.memory_space<hbm>> -> memref<80xi32, #tpu.memory_space<hbm>>
    %dma_start3A_122 = tpu.memref_slice %arg16[%dma_start3A_117] : memref<6x!tpu.dma_semaphore, #tpu.memory_space<semaphore_mem>> -> memref<1x!tpu.dma_semaphore, #tpu.memory_space<semaphore_mem>>
    %dma_start3A_123 = tpu.memref_squeeze %dma_start3A_122 : memref<1x!tpu.dma_semaphore, #tpu.memory_space<semaphore_mem>> -> memref<!tpu.dma_semaphore, #tpu.memory_space<semaphore_mem>>
    %dma_start3A_124 = arith.constant 0 : i32
    %dma_start3A_125 = tpu.memref_slice %arg9[%dma_start3A_116, %dma_start3A_124] : memref<6x80xi32, #tpu.memory_space<vmem>> -> memref<1x80xi32, #tpu.memory_space<vmem>>
    %dma_start3A_126 = tpu.memref_squeeze %dma_start3A_125 : memref<1x80xi32, #tpu.memory_space<vmem>> -> memref<80xi32, #tpu.memory_space<vmem>>
    %dma_start3A_127 = tpu.memref_slice %arg3[%add3A_115] : memref<320000xi32, #tpu.memory_space<hbm>> -> memref<80xi32, #tpu.memory_space<hbm>>
    tpu.enqueue_dma source(%dma_start3A_127 : memref<80xi32, #tpu.memory_space<hbm>>) target(%dma_start3A_126 : memref<80xi32, #tpu.memory_space<vmem>>) target_semaphore(%dma_start3A_123 : memref<!tpu.dma_semaphore, #tpu.memory_space<semaphore_mem>>)
    %add3A_128 = arith.constant 320 : i32
    %add3A_129 = arith.addi %mul3A_2, %add3A_128 : i32
    %dma_start3A_130 = arith.constant 4 : i32
    %dma_start3A_131 = arith.constant 4 : i32
    %dma_start3A_132 = arith.constant 0 : i32
    %dma_start3A_133 = tpu.memref_slice %arg10[%dma_start3A_130, %dma_start3A_132] : memref<6x80xi32, #tpu.memory_space<vmem>> -> memref<1x80xi32, #tpu.memory_space<vmem>>
    %dma_start3A_134 = tpu.memref_squeeze %dma_start3A_133 : memref<1x80xi32, #tpu.memory_space<vmem>> -> memref<80xi32, #tpu.memory_space<vmem>>
    %dma_start3A_135 = tpu.memref_slice %arg4[%add3A_129] : memref<320000xi32, #tpu.memory_space<hbm>> -> memref<80xi32, #tpu.memory_space<hbm>>
    %dma_start3A_136 = tpu.memref_slice %arg16[%dma_start3A_131] : memref<6x!tpu.dma_semaphore, #tpu.memory_space<semaphore_mem>> -> memref<1x!tpu.dma_semaphore, #tpu.memory_space<semaphore_mem>>
    %dma_start3A_137 = tpu.memref_squeeze %dma_start3A_136 : memref<1x!tpu.dma_semaphore, #tpu.memory_space<semaphore_mem>> -> memref<!tpu.dma_semaphore, #tpu.memory_space<semaphore_mem>>
    %dma_start3A_138 = arith.constant 0 : i32
    %dma_start3A_139 = tpu.memref_slice %arg10[%dma_start3A_130, %dma_start3A_138] : memref<6x80xi32, #tpu.memory_space<vmem>> -> memref<1x80xi32, #tpu.memory_space<vmem>>
    %dma_start3A_140 = tpu.memref_squeeze %dma_start3A_139 : memref<1x80xi32, #tpu.memory_space<vmem>> -> memref<80xi32, #tpu.memory_space<vmem>>
    %dma_start3A_141 = tpu.memref_slice %arg4[%add3A_129] : memref<320000xi32, #tpu.memory_space<hbm>> -> memref<80xi32, #tpu.memory_space<hbm>>
    tpu.enqueue_dma source(%dma_start3A_141 : memref<80xi32, #tpu.memory_space<hbm>>) target(%dma_start3A_140 : memref<80xi32, #tpu.memory_space<vmem>>) target_semaphore(%dma_start3A_137 : memref<!tpu.dma_semaphore, #tpu.memory_space<semaphore_mem>>)
    %dma_wait3A = arith.constant 1 : i32
    %dma_wait3A_142 = arith.constant 1 : i32
    %dma_wait3A_143 = arith.constant 0 : i32
    %dma_wait3A_144 = tpu.memref_slice %arg9[%dma_wait3A, %dma_wait3A_143] : memref<6x80xi32, #tpu.memory_space<vmem>> -> memref<1x80xi32, #tpu.memory_space<vmem>>
    %dma_wait3A_145 = tpu.memref_squeeze %dma_wait3A_144 : memref<1x80xi32, #tpu.memory_space<vmem>> -> memref<80xi32, #tpu.memory_space<vmem>>
    %dma_wait3A_146 = arith.constant 0 : i32
    %dma_wait3A_147 = tpu.memref_slice %arg3[%dma_wait3A_146] : memref<320000xi32, #tpu.memory_space<hbm>> -> memref<80xi32, #tpu.memory_space<hbm>>
    %dma_wait3A_148 = tpu.memref_slice %arg16[%dma_wait3A_142] : memref<6x!tpu.dma_semaphore, #tpu.memory_space<semaphore_mem>> -> memref<1x!tpu.dma_semaphore, #tpu.memory_space<semaphore_mem>>
    %dma_wait3A_149 = tpu.memref_squeeze %dma_wait3A_148 : memref<1x!tpu.dma_semaphore, #tpu.memory_space<semaphore_mem>> -> memref<!tpu.dma_semaphore, #tpu.memory_space<semaphore_mem>>
    %dma_wait3A_150 = arith.constant 0 : i32
    %dma_wait3A_151 = tpu.memref_slice %arg9[%dma_wait3A, %dma_wait3A_150] : memref<6x80xi32, #tpu.memory_space<vmem>> -> memref<1x80xi32, #tpu.memory_space<vmem>>
    %dma_wait3A_152 = tpu.memref_squeeze %dma_wait3A_151 : memref<1x80xi32, #tpu.memory_space<vmem>> -> memref<80xi32, #tpu.memory_space<vmem>>
    %dma_wait3A_153 = arith.constant 0 : i32
    %dma_wait3A_154 = tpu.memref_slice %arg3[%dma_wait3A_153] : memref<320000xi32, #tpu.memory_space<hbm>> -> memref<80xi32, #tpu.memory_space<hbm>>
    tpu.wait_dma2 semaphore(%dma_wait3A_149 : memref<!tpu.dma_semaphore, #tpu.memory_space<semaphore_mem>>) src(%dma_wait3A_154 : memref<80xi32, #tpu.memory_space<hbm>>) dst(%dma_wait3A_152 : memref<80xi32, #tpu.memory_space<vmem>>)
    %dma_wait3A_155 = arith.constant 1 : i32
    %dma_wait3A_156 = arith.constant 1 : i32
    %dma_wait3A_157 = arith.constant 0 : i32
    %dma_wait3A_158 = tpu.memref_slice %arg10[%dma_wait3A_155, %dma_wait3A_157] : memref<6x80xi32, #tpu.memory_space<vmem>> -> memref<1x80xi32, #tpu.memory_space<vmem>>
    %dma_wait3A_159 = tpu.memref_squeeze %dma_wait3A_158 : memref<1x80xi32, #tpu.memory_space<vmem>> -> memref<80xi32, #tpu.memory_space<vmem>>
    %dma_wait3A_160 = arith.constant 0 : i32
    %dma_wait3A_161 = tpu.memref_slice %arg4[%dma_wait3A_160] : memref<320000xi32, #tpu.memory_space<hbm>> -> memref<80xi32, #tpu.memory_space<hbm>>
    %dma_wait3A_162 = tpu.memref_slice %arg16[%dma_wait3A_156] : memref<6x!tpu.dma_semaphore, #tpu.memory_space<semaphore_mem>> -> memref<1x!tpu.dma_semaphore, #tpu.memory_space<semaphore_mem>>
    %dma_wait3A_163 = tpu.memref_squeeze %dma_wait3A_162 : memref<1x!tpu.dma_semaphore, #tpu.memory_space<semaphore_mem>> -> memref<!tpu.dma_semaphore, #tpu.memory_space<semaphore_mem>>
    %dma_wait3A_164 = arith.constant 0 : i32
    %dma_wait3A_165 = tpu.memref_slice %arg10[%dma_wait3A_155, %dma_wait3A_164] : memref<6x80xi32, #tpu.memory_space<vmem>> -> memref<1x80xi32, #tpu.memory_space<vmem>>
    %dma_wait3A_166 = tpu.memref_squeeze %dma_wait3A_165 : memref<1x80xi32, #tpu.memory_space<vmem>> -> memref<80xi32, #tpu.memory_space<vmem>>
    %dma_wait3A_167 = arith.constant 0 : i32
    %dma_wait3A_168 = tpu.memref_slice %arg4[%dma_wait3A_167] : memref<320000xi32, #tpu.memory_space<hbm>> -> memref<80xi32, #tpu.memory_space<hbm>>
    tpu.wait_dma2 semaphore(%dma_wait3A_163 : memref<!tpu.dma_semaphore, #tpu.memory_space<semaphore_mem>>) src(%dma_wait3A_168 : memref<80xi32, #tpu.memory_space<hbm>>) dst(%dma_wait3A_166 : memref<80xi32, #tpu.memory_space<vmem>>)
    %dma_start3A_169 = arith.constant 1 : i32
    %dma_start3A_170 = arith.constant 1 : i32
    %dma_start3A_171 = arith.constant 1 : i32
    %dma_start3A_172 = arith.constant 0 : i32
    %dma_start3A_173 = arith.constant 0 : i32
    %dma_start3A_174 = tpu.memref_slice %arg11[%dma_start3A_170, %dma_start3A_172, %dma_start3A_173] : memref<4x80x128xf32, #tpu.memory_space<vmem>> -> memref<1x80x128xf32, #tpu.memory_space<vmem>>
    %dma_start3A_175 = tpu.memref_squeeze %dma_start3A_174 : memref<1x80x128xf32, #tpu.memory_space<vmem>> -> memref<80x128xf32, #tpu.memory_space<vmem>>
    %dma_start3A_176 = arith.constant 0 : i32
    %dma_start3A_177 = tpu.memref_slice %arg9[%dma_start3A_169, %dma_start3A_176] : memref<6x80xi32, #tpu.memory_space<vmem>> -> memref<1x80xi32, #tpu.memory_space<vmem>>
    %dma_start3A_178 = tpu.memref_squeeze %dma_start3A_177 : memref<1x80xi32, #tpu.memory_space<vmem>> -> memref<80xi32, #tpu.memory_space<vmem>>
    %dma_start3A_179 = arith.constant 0 : i32
    %dma_start3A_180 = arith.constant 0 : i32
    %dma_start3A_181 = tpu.memref_slice %arg2[%dma_start3A_179, %dma_start3A_180] : memref<10000x128xf32, #tpu.memory_space<hbm>> -> memref<10000x128xf32, #tpu.memory_space<hbm>>
    %dma_start3A_182 = tpu.memref_slice %arg14[%dma_start3A_171] : memref<4x!tpu.dma_semaphore, #tpu.memory_space<semaphore_mem>> -> memref<1x!tpu.dma_semaphore, #tpu.memory_space<semaphore_mem>>
    %dma_start3A_183 = tpu.memref_squeeze %dma_start3A_182 : memref<1x!tpu.dma_semaphore, #tpu.memory_space<semaphore_mem>> -> memref<!tpu.dma_semaphore, #tpu.memory_space<semaphore_mem>>
    tpu.enqueue_indirect_dma source(%dma_start3A_181 : memref<10000x128xf32, #tpu.memory_space<hbm>>) target(%dma_start3A_175 : memref<80x128xf32, #tpu.memory_space<vmem>>) offsets(%dma_start3A_178 : memref<80xi32, #tpu.memory_space<vmem>>) semaphore(%dma_start3A_183 : memref<!tpu.dma_semaphore, #tpu.memory_space<semaphore_mem>>)
    %dma_wait3A_184 = arith.constant 2 : i32
    %dma_wait3A_185 = arith.constant 2 : i32
    %dma_wait3A_186 = arith.constant 0 : i32
    %dma_wait3A_187 = tpu.memref_slice %arg9[%dma_wait3A_184, %dma_wait3A_186] : memref<6x80xi32, #tpu.memory_space<vmem>> -> memref<1x80xi32, #tpu.memory_space<vmem>>
    %dma_wait3A_188 = tpu.memref_squeeze %dma_wait3A_187 : memref<1x80xi32, #tpu.memory_space<vmem>> -> memref<80xi32, #tpu.memory_space<vmem>>
    %dma_wait3A_189 = arith.constant 0 : i32
    %dma_wait3A_190 = tpu.memref_slice %arg3[%dma_wait3A_189] : memref<320000xi32, #tpu.memory_space<hbm>> -> memref<80xi32, #tpu.memory_space<hbm>>
    %dma_wait3A_191 = tpu.memref_slice %arg16[%dma_wait3A_185] : memref<6x!tpu.dma_semaphore, #tpu.memory_space<semaphore_mem>> -> memref<1x!tpu.dma_semaphore, #tpu.memory_space<semaphore_mem>>
    %dma_wait3A_192 = tpu.memref_squeeze %dma_wait3A_191 : memref<1x!tpu.dma_semaphore, #tpu.memory_space<semaphore_mem>> -> memref<!tpu.dma_semaphore, #tpu.memory_space<semaphore_mem>>
    %dma_wait3A_193 = arith.constant 0 : i32
    %dma_wait3A_194 = tpu.memref_slice %arg9[%dma_wait3A_184, %dma_wait3A_193] : memref<6x80xi32, #tpu.memory_space<vmem>> -> memref<1x80xi32, #tpu.memory_space<vmem>>
    %dma_wait3A_195 = tpu.memref_squeeze %dma_wait3A_194 : memref<1x80xi32, #tpu.memory_space<vmem>> -> memref<80xi32, #tpu.memory_space<vmem>>
    %dma_wait3A_196 = arith.constant 0 : i32
    %dma_wait3A_197 = tpu.memref_slice %arg3[%dma_wait3A_196] : memref<320000xi32, #tpu.memory_space<hbm>> -> memref<80xi32, #tpu.memory_space<hbm>>
    tpu.wait_dma2 semaphore(%dma_wait3A_192 : memref<!tpu.dma_semaphore, #tpu.memory_space<semaphore_mem>>) src(%dma_wait3A_197 : memref<80xi32, #tpu.memory_space<hbm>>) dst(%dma_wait3A_195 : memref<80xi32, #tpu.memory_space<vmem>>)
    %dma_wait3A_198 = arith.constant 2 : i32
    %dma_wait3A_199 = arith.constant 2 : i32
    %dma_wait3A_200 = arith.constant 0 : i32
    %dma_wait3A_201 = tpu.memref_slice %arg10[%dma_wait3A_198, %dma_wait3A_200] : memref<6x80xi32, #tpu.memory_space<vmem>> -> memref<1x80xi32, #tpu.memory_space<vmem>>
    %dma_wait3A_202 = tpu.memref_squeeze %dma_wait3A_201 : memref<1x80xi32, #tpu.memory_space<vmem>> -> memref<80xi32, #tpu.memory_space<vmem>>
    %dma_wait3A_203 = arith.constant 0 : i32
    %dma_wait3A_204 = tpu.memref_slice %arg4[%dma_wait3A_203] : memref<320000xi32, #tpu.memory_space<hbm>> -> memref<80xi32, #tpu.memory_space<hbm>>
    %dma_wait3A_205 = tpu.memref_slice %arg16[%dma_wait3A_199] : memref<6x!tpu.dma_semaphore, #tpu.memory_space<semaphore_mem>> -> memref<1x!tpu.dma_semaphore, #tpu.memory_space<semaphore_mem>>
    %dma_wait3A_206 = tpu.memref_squeeze %dma_wait3A_205 : memref<1x!tpu.dma_semaphore, #tpu.memory_space<semaphore_mem>> -> memref<!tpu.dma_semaphore, #tpu.memory_space<semaphore_mem>>
    %dma_wait3A_207 = arith.constant 0 : i32
    %dma_wait3A_208 = tpu.memref_slice %arg10[%dma_wait3A_198, %dma_wait3A_207] : memref<6x80xi32, #tpu.memory_space<vmem>> -> memref<1x80xi32, #tpu.memory_space<vmem>>
    %dma_wait3A_209 = tpu.memref_squeeze %dma_wait3A_208 : memref<1x80xi32, #tpu.memory_space<vmem>> -> memref<80xi32, #tpu.memory_space<vmem>>
    %dma_wait3A_210 = arith.constant 0 : i32
    %dma_wait3A_211 = tpu.memref_slice %arg4[%dma_wait3A_210] : memref<320000xi32, #tpu.memory_space<hbm>> -> memref<80xi32, #tpu.memory_space<hbm>>
    tpu.wait_dma2 semaphore(%dma_wait3A_206 : memref<!tpu.dma_semaphore, #tpu.memory_space<semaphore_mem>>) src(%dma_wait3A_211 : memref<80xi32, #tpu.memory_space<hbm>>) dst(%dma_wait3A_209 : memref<80xi32, #tpu.memory_space<vmem>>)
    %dma_start3A_212 = arith.constant 2 : i32
    %dma_start3A_213 = arith.constant 2 : i32
    %dma_start3A_214 = arith.constant 2 : i32
    %dma_start3A_215 = arith.constant 0 : i32
    %dma_start3A_216 = arith.constant 0 : i32
    %dma_start3A_217 = tpu.memref_slice %arg11[%dma_start3A_213, %dma_start3A_215, %dma_start3A_216] : memref<4x80x128xf32, #tpu.memory_space<vmem>> -> memref<1x80x128xf32, #tpu.memory_space<vmem>>
    %dma_start3A_218 = tpu.memref_squeeze %dma_start3A_217 : memref<1x80x128xf32, #tpu.memory_space<vmem>> -> memref<80x128xf32, #tpu.memory_space<vmem>>
    %dma_start3A_219 = arith.constant 0 : i32
    %dma_start3A_220 = tpu.memref_slice %arg9[%dma_start3A_212, %dma_start3A_219] : memref<6x80xi32, #tpu.memory_space<vmem>> -> memref<1x80xi32, #tpu.memory_space<vmem>>
    %dma_start3A_221 = tpu.memref_squeeze %dma_start3A_220 : memref<1x80xi32, #tpu.memory_space<vmem>> -> memref<80xi32, #tpu.memory_space<vmem>>
    %dma_start3A_222 = arith.constant 0 : i32
    %dma_start3A_223 = arith.constant 0 : i32
    %dma_start3A_224 = tpu.memref_slice %arg2[%dma_start3A_222, %dma_start3A_223] : memref<10000x128xf32, #tpu.memory_space<hbm>> -> memref<10000x128xf32, #tpu.memory_space<hbm>>
    %dma_start3A_225 = tpu.memref_slice %arg14[%dma_start3A_214] : memref<4x!tpu.dma_semaphore, #tpu.memory_space<semaphore_mem>> -> memref<1x!tpu.dma_semaphore, #tpu.memory_space<semaphore_mem>>
    %dma_start3A_226 = tpu.memref_squeeze %dma_start3A_225 : memref<1x!tpu.dma_semaphore, #tpu.memory_space<semaphore_mem>> -> memref<!tpu.dma_semaphore, #tpu.memory_space<semaphore_mem>>
    tpu.enqueue_indirect_dma source(%dma_start3A_224 : memref<10000x128xf32, #tpu.memory_space<hbm>>) target(%dma_start3A_218 : memref<80x128xf32, #tpu.memory_space<vmem>>) offsets(%dma_start3A_221 : memref<80xi32, #tpu.memory_space<vmem>>) semaphore(%dma_start3A_226 : memref<!tpu.dma_semaphore, #tpu.memory_space<semaphore_mem>>)
    %broadcast_in_dim3A = arith.constant 1.000000e+00 : f32
    %broadcast_in_dim3A_227 = vector.broadcast %broadcast_in_dim3A : f32 to vector<16xf32>
    %swap3A = arith.constant 0 : index
    %swap3A_228 = tpu.vector_load %arg12[%swap3A] {strides = array<i32>} : memref<80xf32, #tpu.memory_space<vmem>>, vector<16xf32>,
    %swap3A_229 = vector.shape_cast %swap3A_228 : vector<16xf32> to vector<16xf32>
    %swap3A_230 = vector.shape_cast %broadcast_in_dim3A_227 : vector<16xf32> to vector<16xf32>
    tpu.vector_store %arg12[%swap3A], %swap3A_230 {strides = array<i32>} : memref<80xf32, #tpu.memory_space<vmem>>, vector<16xf32>,
    %broadcast_in_dim3A_231 = arith.constant 1.000000e+00 : f32
    %broadcast_in_dim3A_232 = vector.broadcast %broadcast_in_dim3A_231 : f32 to vector<16xf32>
    %swap3A_233 = arith.constant 16 : index
    %swap3A_234 = tpu.vector_load %arg12[%swap3A_233] {strides = array<i32>} : memref<80xf32, #tpu.memory_space<vmem>>, vector<16xf32>,
    %swap3A_235 = vector.shape_cast %swap3A_234 : vector<16xf32> to vector<16xf32>
    %swap3A_236 = vector.shape_cast %broadcast_in_dim3A_232 : vector<16xf32> to vector<16xf32>
    tpu.vector_store %arg12[%swap3A_233], %swap3A_236 {strides = array<i32>} : memref<80xf32, #tpu.memory_space<vmem>>, vector<16xf32>,
    %broadcast_in_dim3A_237 = arith.constant 1.000000e+00 : f32
    %broadcast_in_dim3A_238 = vector.broadcast %broadcast_in_dim3A_237 : f32 to vector<16xf32>
    %swap3A_239 = arith.constant 32 : index
    %swap3A_240 = tpu.vector_load %arg12[%swap3A_239] {strides = array<i32>} : memref<80xf32, #tpu.memory_space<vmem>>, vector<16xf32>,
    %swap3A_241 = vector.shape_cast %swap3A_240 : vector<16xf32> to vector<16xf32>
    %swap3A_242 = vector.shape_cast %broadcast_in_dim3A_238 : vector<16xf32> to vector<16xf32>
    tpu.vector_store %arg12[%swap3A_239], %swap3A_242 {strides = array<i32>} : memref<80xf32, #tpu.memory_space<vmem>>, vector<16xf32>,
    %broadcast_in_dim3A_243 = arith.constant 1.000000e+00 : f32
    %broadcast_in_dim3A_244 = vector.broadcast %broadcast_in_dim3A_243 : f32 to vector<16xf32>
    %swap3A_245 = arith.constant 48 : index
    %swap3A_246 = tpu.vector_load %arg12[%swap3A_245] {strides = array<i32>} : memref<80xf32, #tpu.memory_space<vmem>>, vector<16xf32>,
    %swap3A_247 = vector.shape_cast %swap3A_246 : vector<16xf32> to vector<16xf32>
    %swap3A_248 = vector.shape_cast %broadcast_in_dim3A_244 : vector<16xf32> to vector<16xf32>
    tpu.vector_store %arg12[%swap3A_245], %swap3A_248 {strides = array<i32>} : memref<80xf32, #tpu.memory_space<vmem>>, vector<16xf32>,
    %broadcast_in_dim3A_249 = arith.constant 1.000000e+00 : f32
    %broadcast_in_dim3A_250 = vector.broadcast %broadcast_in_dim3A_249 : f32 to vector<16xf32>
    %swap3A_251 = arith.constant 64 : index
    %swap3A_252 = tpu.vector_load %arg12[%swap3A_251] {strides = array<i32>} : memref<80xf32, #tpu.memory_space<vmem>>, vector<16xf32>,
    %swap3A_253 = vector.shape_cast %swap3A_252 : vector<16xf32> to vector<16xf32>
    %swap3A_254 = vector.shape_cast %broadcast_in_dim3A_250 : vector<16xf32> to vector<16xf32>
    tpu.vector_store %arg12[%swap3A_251], %swap3A_254 {strides = array<i32>} : memref<80xf32, #tpu.memory_space<vmem>>, vector<16xf32>,
    %broadcast_in_dim3A_255 = arith.constant 0.000000e+00 : f32
    %broadcast_in_dim3A_256 = vector.broadcast %broadcast_in_dim3A_255 : f32 to vector<16xf32>
    %swap3A_257 = arith.constant 0 : index
    %swap3A_258 = tpu.vector_load %arg13[%swap3A_257] {strides = array<i32>} : memref<640xf32, #tpu.memory_space<vmem>>, vector<16xf32>,
    %swap3A_259 = vector.shape_cast %swap3A_258 : vector<16xf32> to vector<16xf32>
    %swap3A_260 = vector.shape_cast %broadcast_in_dim3A_256 : vector<16xf32> to vector<16xf32>
    tpu.vector_store %arg13[%swap3A_257], %swap3A_260 {strides = array<i32>} : memref<640xf32, #tpu.memory_space<vmem>>, vector<16xf32>,
    %broadcast_in_dim3A_261 = arith.constant 0.000000e+00 : f32
    %broadcast_in_dim3A_262 = vector.broadcast %broadcast_in_dim3A_261 : f32 to vector<16xf32>
    %swap3A_263 = arith.constant 16 : index
    %swap3A_264 = tpu.vector_load %arg13[%swap3A_263] {strides = array<i32>} : memref<640xf32, #tpu.memory_space<vmem>>, vector<16xf32>,
    %swap3A_265 = vector.shape_cast %swap3A_264 : vector<16xf32> to vector<16xf32>
    %swap3A_266 = vector.shape_cast %broadcast_in_dim3A_262 : vector<16xf32> to vector<16xf32>
    tpu.vector_store %arg13[%swap3A_263], %swap3A_266 {strides = array<i32>} : memref<640xf32, #tpu.memory_space<vmem>>, vector<16xf32>,
    %broadcast_in_dim3A_267 = arith.constant 0.000000e+00 : f32
    %broadcast_in_dim3A_268 = vector.broadcast %broadcast_in_dim3A_267 : f32 to vector<16xf32>
    %swap3A_269 = arith.constant 32 : index
    %swap3A_270 = tpu.vector_load %arg13[%swap3A_269] {strides = array<i32>} : memref<640xf32, #tpu.memory_space<vmem>>, vector<16xf32>,
    %swap3A_271 = vector.shape_cast %swap3A_270 : vector<16xf32> to vector<16xf32>
    %swap3A_272 = vector.shape_cast %broadcast_in_dim3A_268 : vector<16xf32> to vector<16xf32>
    tpu.vector_store %arg13[%swap3A_269], %swap3A_272 {strides = array<i32>} : memref<640xf32, #tpu.memory_space<vmem>>, vector<16xf32>,
    %broadcast_in_dim3A_273 = arith.constant 0.000000e+00 : f32
    %broadcast_in_dim3A_274 = vector.broadcast %broadcast_in_dim3A_273 : f32 to vector<16xf32>
    %swap3A_275 = arith.constant 48 : index
    %swap3A_276 = tpu.vector_load %arg13[%swap3A_275] {strides = array<i32>} : memref<640xf32, #tpu.memory_space<vmem>>, vector<16xf32>,
    %swap3A_277 = vector.shape_cast %swap3A_276 : vector<16xf32> to vector<16xf32>
    %swap3A_278 = vector.shape_cast %broadcast_in_dim3A_274 : vector<16xf32> to vector<16xf32>
    tpu.vector_store %arg13[%swap3A_275], %swap3A_278 {strides = array<i32>} : memref<640xf32, #tpu.memory_space<vmem>>, vector<16xf32>,
    %broadcast_in_dim3A_279 = arith.constant 0.000000e+00 : f32
    %broadcast_in_dim3A_280 = vector.broadcast %broadcast_in_dim3A_279 : f32 to vector<16xf32>
    %swap3A_281 = arith.constant 64 : index
    %swap3A_282 = tpu.vector_load %arg13[%swap3A_281] {strides = array<i32>} : memref<640xf32, #tpu.memory_space<vmem>>, vector<16xf32>,
    %swap3A_283 = vector.shape_cast %swap3A_282 : vector<16xf32> to vector<16xf32>
    %swap3A_284 = vector.shape_cast %broadcast_in_dim3A_280 : vector<16xf32> to vector<16xf32>
    tpu.vector_store %arg13[%swap3A_281], %swap3A_284 {strides = array<i32>} : memref<640xf32, #tpu.memory_space<vmem>>, vector<16xf32>,
    %broadcast_in_dim3A_285 = arith.constant 0.000000e+00 : f32
    %broadcast_in_dim3A_286 = vector.broadcast %broadcast_in_dim3A_285 : f32 to vector<16xf32>
    %swap3A_287 = arith.constant 80 : index
    %swap3A_288 = tpu.vector_load %arg13[%swap3A_287] {strides = array<i32>} : memref<640xf32, #tpu.memory_space<vmem>>, vector<16xf32>,
    %swap3A_289 = vector.shape_cast %swap3A_288 : vector<16xf32> to vector<16xf32>
    %swap3A_290 = vector.shape_cast %broadcast_in_dim3A_286 : vector<16xf32> to vector<16xf32>
    tpu.vector_store %arg13[%swap3A_287], %swap3A_290 {strides = array<i32>} : memref<640xf32, #tpu.memory_space<vmem>>, vector<16xf32>,
    %broadcast_in_dim3A_291 = arith.constant 0.000000e+00 : f32
    %broadcast_in_dim3A_292 = vector.broadcast %broadcast_in_dim3A_291 : f32 to vector<16xf32>
    %swap3A_293 = arith.constant 96 : index
    %swap3A_294 = tpu.vector_load %arg13[%swap3A_293] {strides = array<i32>} : memref<640xf32, #tpu.memory_space<vmem>>, vector<16xf32>,
    %swap3A_295 = vector.shape_cast %swap3A_294 : vector<16xf32> to vector<16xf32>
    %swap3A_296 = vector.shape_cast %broadcast_in_dim3A_292 : vector<16xf32> to vector<16xf32>
    tpu.vector_store %arg13[%swap3A_293], %swap3A_296 {strides = array<i32>} : memref<640xf32, #tpu.memory_space<vmem>>, vector<16xf32>,
    %broadcast_in_dim3A_297 = arith.constant 0.000000e+00 : f32
    %broadcast_in_dim3A_298 = vector.broadcast %broadcast_in_dim3A_297 : f32 to vector<16xf32>
    %swap3A_299 = arith.constant 112 : index
    %swap3A_300 = tpu.vector_load %arg13[%swap3A_299] {strides = array<i32>} : memref<640xf32, #tpu.memory_space<vmem>>, vector<16xf32>,
    %swap3A_301 = vector.shape_cast %swap3A_300 : vector<16xf32> to vector<16xf32>
    %swap3A_302 = vector.shape_cast %broadcast_in_dim3A_298 : vector<16xf32> to vector<16xf32>
    tpu.vector_store %arg13[%swap3A_299], %swap3A_302 {strides = array<i32>} : memref<640xf32, #tpu.memory_space<vmem>>, vector<16xf32>,
    %broadcast_in_dim3A_303 = arith.constant 0.000000e+00 : f32
    %broadcast_in_dim3A_304 = vector.broadcast %broadcast_in_dim3A_303 : f32 to vector<16xf32>
    %swap3A_305 = arith.constant 128 : index
    %swap3A_306 = tpu.vector_load %arg13[%swap3A_305] {strides = array<i32>} : memref<640xf32, #tpu.memory_space<vmem>>, vector<16xf32>,
    %swap3A_307 = vector.shape_cast %swap3A_306 : vector<16xf32> to vector<16xf32>
    %swap3A_308 = vector.shape_cast %broadcast_in_dim3A_304 : vector<16xf32> to vector<16xf32>
    tpu.vector_store %arg13[%swap3A_305], %swap3A_308 {strides = array<i32>} : memref<640xf32, #tpu.memory_space<vmem>>, vector<16xf32>,
    %broadcast_in_dim3A_309 = arith.constant 0.000000e+00 : f32
    %broadcast_in_dim3A_310 = vector.broadcast %broadcast_in_dim3A_309 : f32 to vector<16xf32>
    %swap3A_311 = arith.constant 144 : index
    %swap3A_312 = tpu.vector_load %arg13[%swap3A_311] {strides = array<i32>} : memref<640xf32, #tpu.memory_space<vmem>>, vector<16xf32>,
    %swap3A_313 = vector.shape_cast %swap3A_312 : vector<16xf32> to vector<16xf32>
    %swap3A_314 = vector.shape_cast %broadcast_in_dim3A_310 : vector<16xf32> to vector<16xf32>
    tpu.vector_store %arg13[%swap3A_311], %swap3A_314 {strides = array<i32>} : memref<640xf32, #tpu.memory_space<vmem>>, vector<16xf32>,
    %broadcast_in_dim3A_315 = arith.constant 0.000000e+00 : f32
    %broadcast_in_dim3A_316 = vector.broadcast %broadcast_in_dim3A_315 : f32 to vector<16xf32>
    %swap3A_317 = arith.constant 160 : index
    %swap3A_318 = tpu.vector_load %arg13[%swap3A_317] {strides = array<i32>} : memref<640xf32, #tpu.memory_space<vmem>>, vector<16xf32>,
    %swap3A_319 = vector.shape_cast %swap3A_318 : vector<16xf32> to vector<16xf32>
    %swap3A_320 = vector.shape_cast %broadcast_in_dim3A_316 : vector<16xf32> to vector<16xf32>
    tpu.vector_store %arg13[%swap3A_317], %swap3A_320 {strides = array<i32>} : memref<640xf32, #tpu.memory_space<vmem>>, vector<16xf32>,
    %broadcast_in_dim3A_321 = arith.constant 0.000000e+00 : f32
    %broadcast_in_dim3A_322 = vector.broadcast %broadcast_in_dim3A_321 : f32 to vector<16xf32>
    %swap3A_323 = arith.constant 176 : index
    %swap3A_324 = tpu.vector_load %arg13[%swap3A_323] {strides = array<i32>} : memref<640xf32, #tpu.memory_space<vmem>>, vector<16xf32>,
    %swap3A_325 = vector.shape_cast %swap3A_324 : vector<16xf32> to vector<16xf32>
    %swap3A_326 = vector.shape_cast %broadcast_in_dim3A_322 : vector<16xf32> to vector<16xf32>
    tpu.vector_store %arg13[%swap3A_323], %swap3A_326 {strides = array<i32>} : memref<640xf32, #tpu.memory_space<vmem>>, vector<16xf32>,
    %broadcast_in_dim3A_327 = arith.constant 0.000000e+00 : f32
    %broadcast_in_dim3A_328 = vector.broadcast %broadcast_in_dim3A_327 : f32 to vector<16xf32>
    %swap3A_329 = arith.constant 192 : index
    %swap3A_330 = tpu.vector_load %arg13[%swap3A_329] {strides = array<i32>} : memref<640xf32, #tpu.memory_space<vmem>>, vector<16xf32>,
    %swap3A_331 = vector.shape_cast %swap3A_330 : vector<16xf32> to vector<16xf32>
    %swap3A_332 = vector.shape_cast %broadcast_in_dim3A_328 : vector<16xf32> to vector<16xf32>
    tpu.vector_store %arg13[%swap3A_329], %swap3A_332 {strides = array<i32>} : memref<640xf32, #tpu.memory_space<vmem>>, vector<16xf32>,
    %broadcast_in_dim3A_333 = arith.constant 0.000000e+00 : f32
    %broadcast_in_dim3A_334 = vector.broadcast %broadcast_in_dim3A_333 : f32 to vector<16xf32>
    %swap3A_335 = arith.constant 208 : index
    %swap3A_336 = tpu.vector_load %arg13[%swap3A_335] {strides = array<i32>} : memref<640xf32, #tpu.memory_space<vmem>>, vector<16xf32>,
    %swap3A_337 = vector.shape_cast %swap3A_336 : vector<16xf32> to vector<16xf32>
    %swap3A_338 = vector.shape_cast %broadcast_in_dim3A_334 : vector<16xf32> to vector<16xf32>
    tpu.vector_store %arg13[%swap3A_335], %swap3A_338 {strides = array<i32>} : memref<640xf32, #tpu.memory_space<vmem>>, vector<16xf32>,
    %broadcast_in_dim3A_339 = arith.constant 0.000000e+00 : f32
    %broadcast_in_dim3A_340 = vector.broadcast %broadcast_in_dim3A_339 : f32 to vector<16xf32>
    %swap3A_341 = arith.constant 224 : index
    %swap3A_342 = tpu.vector_load %arg13[%swap3A_341] {strides = array<i32>} : memref<640xf32, #tpu.memory_space<vmem>>, vector<16xf32>,
    %swap3A_343 = vector.shape_cast %swap3A_342 : vector<16xf32> to vector<16xf32>
    %swap3A_344 = vector.shape_cast %broadcast_in_dim3A_340 : vector<16xf32> to vector<16xf32>
    tpu.vector_store %arg13[%swap3A_341], %swap3A_344 {strides = array<i32>} : memref<640xf32, #tpu.memory_space<vmem>>, vector<16xf32>,
    %broadcast_in_dim3A_345 = arith.constant 0.000000e+00 : f32
    %broadcast_in_dim3A_346 = vector.broadcast %broadcast_in_dim3A_345 : f32 to vector<16xf32>
    %swap3A_347 = arith.constant 240 : index
    %swap3A_348 = tpu.vector_load %arg13[%swap3A_347] {strides = array<i32>} : memref<640xf32, #tpu.memory_space<vmem>>, vector<16xf32>,
    %swap3A_349 = vector.shape_cast %swap3A_348 : vector<16xf32> to vector<16xf32>
    %swap3A_350 = vector.shape_cast %broadcast_in_dim3A_346 : vector<16xf32> to vector<16xf32>
    tpu.vector_store %arg13[%swap3A_347], %swap3A_350 {strides = array<i32>} : memref<640xf32, #tpu.memory_space<vmem>>, vector<16xf32>,
    %broadcast_in_dim3A_351 = arith.constant 0.000000e+00 : f32
    %broadcast_in_dim3A_352 = vector.broadcast %broadcast_in_dim3A_351 : f32 to vector<16xf32>
    %swap3A_353 = arith.constant 256 : index
    %swap3A_354 = tpu.vector_load %arg13[%swap3A_353] {strides = array<i32>} : memref<640xf32, #tpu.memory_space<vmem>>, vector<16xf32>,
    %swap3A_355 = vector.shape_cast %swap3A_354 : vector<16xf32> to vector<16xf32>
    %swap3A_356 = vector.shape_cast %broadcast_in_dim3A_352 : vector<16xf32> to vector<16xf32>
    tpu.vector_store %arg13[%swap3A_353], %swap3A_356 {strides = array<i32>} : memref<640xf32, #tpu.memory_space<vmem>>, vector<16xf32>,
    %broadcast_in_dim3A_357 = arith.constant 0.000000e+00 : f32
    %broadcast_in_dim3A_358 = vector.broadcast %broadcast_in_dim3A_357 : f32 to vector<16xf32>
    %swap3A_359 = arith.constant 272 : index
    %swap3A_360 = tpu.vector_load %arg13[%swap3A_359] {strides = array<i32>} : memref<640xf32, #tpu.memory_space<vmem>>, vector<16xf32>,
    %swap3A_361 = vector.shape_cast %swap3A_360 : vector<16xf32> to vector<16xf32>
    %swap3A_362 = vector.shape_cast %broadcast_in_dim3A_358 : vector<16xf32> to vector<16xf32>
    tpu.vector_store %arg13[%swap3A_359], %swap3A_362 {strides = array<i32>} : memref<640xf32, #tpu.memory_space<vmem>>, vector<16xf32>,
    %broadcast_in_dim3A_363 = arith.constant 0.000000e+00 : f32
    %broadcast_in_dim3A_364 = vector.broadcast %broadcast_in_dim3A_363 : f32 to vector<16xf32>
    %swap3A_365 = arith.constant 288 : index
    %swap3A_366 = tpu.vector_load %arg13[%swap3A_365] {strides = array<i32>} : memref<640xf32, #tpu.memory_space<vmem>>, vector<16xf32>,
    %swap3A_367 = vector.shape_cast %swap3A_366 : vector<16xf32> to vector<16xf32>
    %swap3A_368 = vector.shape_cast %broadcast_in_dim3A_364 : vector<16xf32> to vector<16xf32>
    tpu.vector_store %arg13[%swap3A_365], %swap3A_368 {strides = array<i32>} : memref<640xf32, #tpu.memory_space<vmem>>, vector<16xf32>,
    %broadcast_in_dim3A_369 = arith.constant 0.000000e+00 : f32
    %broadcast_in_dim3A_370 = vector.broadcast %broadcast_in_dim3A_369 : f32 to vector<16xf32>
    %swap3A_371 = arith.constant 304 : index
    %swap3A_372 = tpu.vector_load %arg13[%swap3A_371] {strides = array<i32>} : memref<640xf32, #tpu.memory_space<vmem>>, vector<16xf32>,
    %swap3A_373 = vector.shape_cast %swap3A_372 : vector<16xf32> to vector<16xf32>
    %swap3A_374 = vector.shape_cast %broadcast_in_dim3A_370 : vector<16xf32> to vector<16xf32>
    tpu.vector_store %arg13[%swap3A_371], %swap3A_374 {strides = array<i32>} : memref<640xf32, #tpu.memory_space<vmem>>, vector<16xf32>,
    %broadcast_in_dim3A_375 = arith.constant 0.000000e+00 : f32
    %broadcast_in_dim3A_376 = vector.broadcast %broadcast_in_dim3A_375 : f32 to vector<16xf32>
    %swap3A_377 = arith.constant 320 : index
    %swap3A_378 = tpu.vector_load %arg13[%swap3A_377] {strides = array<i32>} : memref<640xf32, #tpu.memory_space<vmem>>, vector<16xf32>,
    %swap3A_379 = vector.shape_cast %swap3A_378 : vector<16xf32> to vector<16xf32>
    %swap3A_380 = vector.shape_cast %broadcast_in_dim3A_376 : vector<16xf32> to vector<16xf32>
    tpu.vector_store %arg13[%swap3A_377], %swap3A_380 {strides = array<i32>} : memref<640xf32, #tpu.memory_space<vmem>>, vector<16xf32>,
    %broadcast_in_dim3A_381 = arith.constant 0.000000e+00 : f32
    %broadcast_in_dim3A_382 = vector.broadcast %broadcast_in_dim3A_381 : f32 to vector<16xf32>
    %swap3A_383 = arith.constant 336 : index
    %swap3A_384 = tpu.vector_load %arg13[%swap3A_383] {strides = array<i32>} : memref<640xf32, #tpu.memory_space<vmem>>, vector<16xf32>,
    %swap3A_385 = vector.shape_cast %swap3A_384 : vector<16xf32> to vector<16xf32>
    %swap3A_386 = vector.shape_cast %broadcast_in_dim3A_382 : vector<16xf32> to vector<16xf32>
    tpu.vector_store %arg13[%swap3A_383], %swap3A_386 {strides = array<i32>} : memref<640xf32, #tpu.memory_space<vmem>>, vector<16xf32>,
    %broadcast_in_dim3A_387 = arith.constant 0.000000e+00 : f32
    %broadcast_in_dim3A_388 = vector.broadcast %broadcast_in_dim3A_387 : f32 to vector<16xf32>
    %swap3A_389 = arith.constant 352 : index
    %swap3A_390 = tpu.vector_load %arg13[%swap3A_389] {strides = array<i32>} : memref<640xf32, #tpu.memory_space<vmem>>, vector<16xf32>,
    %swap3A_391 = vector.shape_cast %swap3A_390 : vector<16xf32> to vector<16xf32>
    %swap3A_392 = vector.shape_cast %broadcast_in_dim3A_388 : vector<16xf32> to vector<16xf32>
    tpu.vector_store %arg13[%swap3A_389], %swap3A_392 {strides = array<i32>} : memref<640xf32, #tpu.memory_space<vmem>>, vector<16xf32>,
    %broadcast_in_dim3A_393 = arith.constant 0.000000e+00 : f32
    %broadcast_in_dim3A_394 = vector.broadcast %broadcast_in_dim3A_393 : f32 to vector<16xf32>
    %swap3A_395 = arith.constant 368 : index
    %swap3A_396 = tpu.vector_load %arg13[%swap3A_395] {strides = array<i32>} : memref<640xf32, #tpu.memory_space<vmem>>, vector<16xf32>,
    %swap3A_397 = vector.shape_cast %swap3A_396 : vector<16xf32> to vector<16xf32>
    %swap3A_398 = vector.shape_cast %broadcast_in_dim3A_394 : vector<16xf32> to vector<16xf32>
    tpu.vector_store %arg13[%swap3A_395], %swap3A_398 {strides = array<i32>} : memref<640xf32, #tpu.memory_space<vmem>>, vector<16xf32>,
    %broadcast_in_dim3A_399 = arith.constant 0.000000e+00 : f32
    %broadcast_in_dim3A_400 = vector.broadcast %broadcast_in_dim3A_399 : f32 to vector<16xf32>
    %swap3A_401 = arith.constant 384 : index
    %swap3A_402 = tpu.vector_load %arg13[%swap3A_401] {strides = array<i32>} : memref<640xf32, #tpu.memory_space<vmem>>, vector<16xf32>,
    %swap3A_403 = vector.shape_cast %swap3A_402 : vector<16xf32> to vector<16xf32>
    %swap3A_404 = vector.shape_cast %broadcast_in_dim3A_400 : vector<16xf32> to vector<16xf32>
    tpu.vector_store %arg13[%swap3A_401], %swap3A_404 {strides = array<i32>} : memref<640xf32, #tpu.memory_space<vmem>>, vector<16xf32>,
    %broadcast_in_dim3A_405 = arith.constant 0.000000e+00 : f32
    %broadcast_in_dim3A_406 = vector.broadcast %broadcast_in_dim3A_405 : f32 to vector<16xf32>
    %swap3A_407 = arith.constant 400 : index
    %swap3A_408 = tpu.vector_load %arg13[%swap3A_407] {strides = array<i32>} : memref<640xf32, #tpu.memory_space<vmem>>, vector<16xf32>,
    %swap3A_409 = vector.shape_cast %swap3A_408 : vector<16xf32> to vector<16xf32>
    %swap3A_410 = vector.shape_cast %broadcast_in_dim3A_406 : vector<16xf32> to vector<16xf32>
    tpu.vector_store %arg13[%swap3A_407], %swap3A_410 {strides = array<i32>} : memref<640xf32, #tpu.memory_space<vmem>>, vector<16xf32>,
    %broadcast_in_dim3A_411 = arith.constant 0.000000e+00 : f32
    %broadcast_in_dim3A_412 = vector.broadcast %broadcast_in_dim3A_411 : f32 to vector<16xf32>
    %swap3A_413 = arith.constant 416 : index
    %swap3A_414 = tpu.vector_load %arg13[%swap3A_413] {strides = array<i32>} : memref<640xf32, #tpu.memory_space<vmem>>, vector<16xf32>,
    %swap3A_415 = vector.shape_cast %swap3A_414 : vector<16xf32> to vector<16xf32>
    %swap3A_416 = vector.shape_cast %broadcast_in_dim3A_412 : vector<16xf32> to vector<16xf32>
    tpu.vector_store %arg13[%swap3A_413], %swap3A_416 {strides = array<i32>} : memref<640xf32, #tpu.memory_space<vmem>>, vector<16xf32>,
    %broadcast_in_dim3A_417 = arith.constant 0.000000e+00 : f32
    %broadcast_in_dim3A_418 = vector.broadcast %broadcast_in_dim3A_417 : f32 to vector<16xf32>
    %swap3A_419 = arith.constant 432 : index
    %swap3A_420 = tpu.vector_load %arg13[%swap3A_419] {strides = array<i32>} : memref<640xf32, #tpu.memory_space<vmem>>, vector<16xf32>,
    %swap3A_421 = vector.shape_cast %swap3A_420 : vector<16xf32> to vector<16xf32>
    %swap3A_422 = vector.shape_cast %broadcast_in_dim3A_418 : vector<16xf32> to vector<16xf32>
    tpu.vector_store %arg13[%swap3A_419], %swap3A_422 {strides = array<i32>} : memref<640xf32, #tpu.memory_space<vmem>>, vector<16xf32>,
    %broadcast_in_dim3A_423 = arith.constant 0.000000e+00 : f32
    %broadcast_in_dim3A_424 = vector.broadcast %broadcast_in_dim3A_423 : f32 to vector<16xf32>
    %swap3A_425 = arith.constant 448 : index
    %swap3A_426 = tpu.vector_load %arg13[%swap3A_425] {strides = array<i32>} : memref<640xf32, #tpu.memory_space<vmem>>, vector<16xf32>,
    %swap3A_427 = vector.shape_cast %swap3A_426 : vector<16xf32> to vector<16xf32>
    %swap3A_428 = vector.shape_cast %broadcast_in_dim3A_424 : vector<16xf32> to vector<16xf32>
    tpu.vector_store %arg13[%swap3A_425], %swap3A_428 {strides = array<i32>} : memref<640xf32, #tpu.memory_space<vmem>>, vector<16xf32>,
    %broadcast_in_dim3A_429 = arith.constant 0.000000e+00 : f32
    %broadcast_in_dim3A_430 = vector.broadcast %broadcast_in_dim3A_429 : f32 to vector<16xf32>
    %swap3A_431 = arith.constant 464 : index
    %swap3A_432 = tpu.vector_load %arg13[%swap3A_431] {strides = array<i32>} : memref<640xf32, #tpu.memory_space<vmem>>, vector<16xf32>,
    %swap3A_433 = vector.shape_cast %swap3A_432 : vector<16xf32> to vector<16xf32>
    %swap3A_434 = vector.shape_cast %broadcast_in_dim3A_430 : vector<16xf32> to vector<16xf32>
    tpu.vector_store %arg13[%swap3A_431], %swap3A_434 {strides = array<i32>} : memref<640xf32, #tpu.memory_space<vmem>>, vector<16xf32>,
    %broadcast_in_dim3A_435 = arith.constant 0.000000e+00 : f32
    %broadcast_in_dim3A_436 = vector.broadcast %broadcast_in_dim3A_435 : f32 to vector<16xf32>
    %swap3A_437 = arith.constant 480 : index
    %swap3A_438 = tpu.vector_load %arg13[%swap3A_437] {strides = array<i32>} : memref<640xf32, #tpu.memory_space<vmem>>, vector<16xf32>,
    %swap3A_439 = vector.shape_cast %swap3A_438 : vector<16xf32> to vector<16xf32>
    %swap3A_440 = vector.shape_cast %broadcast_in_dim3A_436 : vector<16xf32> to vector<16xf32>
    tpu.vector_store %arg13[%swap3A_437], %swap3A_440 {strides = array<i32>} : memref<640xf32, #tpu.memory_space<vmem>>, vector<16xf32>,
    %broadcast_in_dim3A_441 = arith.constant 0.000000e+00 : f32
    %broadcast_in_dim3A_442 = vector.broadcast %broadcast_in_dim3A_441 : f32 to vector<16xf32>
    %swap3A_443 = arith.constant 496 : index
    %swap3A_444 = tpu.vector_load %arg13[%swap3A_443] {strides = array<i32>} : memref<640xf32, #tpu.memory_space<vmem>>, vector<16xf32>,
    %swap3A_445 = vector.shape_cast %swap3A_444 : vector<16xf32> to vector<16xf32>
    %swap3A_446 = vector.shape_cast %broadcast_in_dim3A_442 : vector<16xf32> to vector<16xf32>
    tpu.vector_store %arg13[%swap3A_443], %swap3A_446 {strides = array<i32>} : memref<640xf32, #tpu.memory_space<vmem>>, vector<16xf32>,
    %broadcast_in_dim3A_447 = arith.constant 0.000000e+00 : f32
    %broadcast_in_dim3A_448 = vector.broadcast %broadcast_in_dim3A_447 : f32 to vector<16xf32>
    %swap3A_449 = arith.constant 512 : index
    %swap3A_450 = tpu.vector_load %arg13[%swap3A_449] {strides = array<i32>} : memref<640xf32, #tpu.memory_space<vmem>>, vector<16xf32>,
    %swap3A_451 = vector.shape_cast %swap3A_450 : vector<16xf32> to vector<16xf32>
    %swap3A_452 = vector.shape_cast %broadcast_in_dim3A_448 : vector<16xf32> to vector<16xf32>
    tpu.vector_store %arg13[%swap3A_449], %swap3A_452 {strides = array<i32>} : memref<640xf32, #tpu.memory_space<vmem>>, vector<16xf32>,
    %broadcast_in_dim3A_453 = arith.constant 0.000000e+00 : f32
    %broadcast_in_dim3A_454 = vector.broadcast %broadcast_in_dim3A_453 : f32 to vector<16xf32>
    %swap3A_455 = arith.constant 528 : index
    %swap3A_456 = tpu.vector_load %arg13[%swap3A_455] {strides = array<i32>} : memref<640xf32, #tpu.memory_space<vmem>>, vector<16xf32>,
    %swap3A_457 = vector.shape_cast %swap3A_456 : vector<16xf32> to vector<16xf32>
    %swap3A_458 = vector.shape_cast %broadcast_in_dim3A_454 : vector<16xf32> to vector<16xf32>
    tpu.vector_store %arg13[%swap3A_455], %swap3A_458 {strides = array<i32>} : memref<640xf32, #tpu.memory_space<vmem>>, vector<16xf32>,
    %broadcast_in_dim3A_459 = arith.constant 0.000000e+00 : f32
    %broadcast_in_dim3A_460 = vector.broadcast %broadcast_in_dim3A_459 : f32 to vector<16xf32>
    %swap3A_461 = arith.constant 544 : index
    %swap3A_462 = tpu.vector_load %arg13[%swap3A_461] {strides = array<i32>} : memref<640xf32, #tpu.memory_space<vmem>>, vector<16xf32>,
    %swap3A_463 = vector.shape_cast %swap3A_462 : vector<16xf32> to vector<16xf32>
    %swap3A_464 = vector.shape_cast %broadcast_in_dim3A_460 : vector<16xf32> to vector<16xf32>
    tpu.vector_store %arg13[%swap3A_461], %swap3A_464 {strides = array<i32>} : memref<640xf32, #tpu.memory_space<vmem>>, vector<16xf32>,
    %broadcast_in_dim3A_465 = arith.constant 0.000000e+00 : f32
    %broadcast_in_dim3A_466 = vector.broadcast %broadcast_in_dim3A_465 : f32 to vector<16xf32>
    %swap3A_467 = arith.constant 560 : index
    %swap3A_468 = tpu.vector_load %arg13[%swap3A_467] {strides = array<i32>} : memref<640xf32, #tpu.memory_space<vmem>>, vector<16xf32>,
    %swap3A_469 = vector.shape_cast %swap3A_468 : vector<16xf32> to vector<16xf32>
    %swap3A_470 = vector.shape_cast %broadcast_in_dim3A_466 : vector<16xf32> to vector<16xf32>
    tpu.vector_store %arg13[%swap3A_467], %swap3A_470 {strides = array<i32>} : memref<640xf32, #tpu.memory_space<vmem>>, vector<16xf32>,
    %broadcast_in_dim3A_471 = arith.constant 0.000000e+00 : f32
    %broadcast_in_dim3A_472 = vector.broadcast %broadcast_in_dim3A_471 : f32 to vector<16xf32>
    %swap3A_473 = arith.constant 576 : index
    %swap3A_474 = tpu.vector_load %arg13[%swap3A_473] {strides = array<i32>} : memref<640xf32, #tpu.memory_space<vmem>>, vector<16xf32>,
    %swap3A_475 = vector.shape_cast %swap3A_474 : vector<16xf32> to vector<16xf32>
    %swap3A_476 = vector.shape_cast %broadcast_in_dim3A_472 : vector<16xf32> to vector<16xf32>
    tpu.vector_store %arg13[%swap3A_473], %swap3A_476 {strides = array<i32>} : memref<640xf32, #tpu.memory_space<vmem>>, vector<16xf32>,
    %broadcast_in_dim3A_477 = arith.constant 0.000000e+00 : f32
    %broadcast_in_dim3A_478 = vector.broadcast %broadcast_in_dim3A_477 : f32 to vector<16xf32>
    %swap3A_479 = arith.constant 592 : index
    %swap3A_480 = tpu.vector_load %arg13[%swap3A_479] {strides = array<i32>} : memref<640xf32, #tpu.memory_space<vmem>>, vector<16xf32>,
    %swap3A_481 = vector.shape_cast %swap3A_480 : vector<16xf32> to vector<16xf32>
    %swap3A_482 = vector.shape_cast %broadcast_in_dim3A_478 : vector<16xf32> to vector<16xf32>
    tpu.vector_store %arg13[%swap3A_479], %swap3A_482 {strides = array<i32>} : memref<640xf32, #tpu.memory_space<vmem>>, vector<16xf32>,
    %broadcast_in_dim3A_483 = arith.constant 0.000000e+00 : f32
    %broadcast_in_dim3A_484 = vector.broadcast %broadcast_in_dim3A_483 : f32 to vector<16xf32>
    %swap3A_485 = arith.constant 608 : index
    %swap3A_486 = tpu.vector_load %arg13[%swap3A_485] {strides = array<i32>} : memref<640xf32, #tpu.memory_space<vmem>>, vector<16xf32>,
    %swap3A_487 = vector.shape_cast %swap3A_486 : vector<16xf32> to vector<16xf32>
    %swap3A_488 = vector.shape_cast %broadcast_in_dim3A_484 : vector<16xf32> to vector<16xf32>
    tpu.vector_store %arg13[%swap3A_485], %swap3A_488 {strides = array<i32>} : memref<640xf32, #tpu.memory_space<vmem>>, vector<16xf32>,
    %broadcast_in_dim3A_489 = arith.constant 0.000000e+00 : f32
    %broadcast_in_dim3A_490 = vector.broadcast %broadcast_in_dim3A_489 : f32 to vector<16xf32>
    %swap3A_491 = arith.constant 624 : index
    %swap3A_492 = tpu.vector_load %arg13[%swap3A_491] {strides = array<i32>} : memref<640xf32, #tpu.memory_space<vmem>>, vector<16xf32>,
    %swap3A_493 = vector.shape_cast %swap3A_492 : vector<16xf32> to vector<16xf32>
    %swap3A_494 = vector.shape_cast %broadcast_in_dim3A_490 : vector<16xf32> to vector<16xf32>
    tpu.vector_store %arg13[%swap3A_491], %swap3A_494 {strides = array<i32>} : memref<640xf32, #tpu.memory_space<vmem>>, vector<16xf32>,
    %scan3A = arith.constant 0 : i32
    %scan3A_495 = arith.constant 80 : i32
    %scan3A_496 = arith.addi %scan3A, %scan3A_495 : i32
    %scan3A_497 = arith.constant 1 : i32
    scf.for %scan3A_697 = %scan3A to %scan3A_496 step %scan3A_497  : i32 {
      %scan3A_698 = arith.constant 0 : i32
      %scan3A_699 = arith.constant 8 : i32
      %scan3A_700 = arith.addi %scan3A_698, %scan3A_699 : i32
      %scan3A_701 = arith.constant 1 : i32
      scf.for %scan3A_703 = %scan3A_698 to %scan3A_700 step %scan3A_701  : i32 {
        %broadcast_in_dim3A_704 = arith.constant 0.000000e+00 : f32
        %broadcast_in_dim3A_705 = vector.broadcast %broadcast_in_dim3A_704 : f32 to vector<16xf32>
        %mul3A_706 = arith.constant 16 : i32
        %mul3A_707 = arith.muli %scan3A_703, %mul3A_706 : i32
        %swap3A_708 = arith.constant 0 : i32
        %swap3A_709 = arith.index_cast %swap3A_708 : i32 to index
        %swap3A_710 = arith.index_cast %scan3A_697 : i32 to index
        %swap3A_711 = arith.index_cast %mul3A_707 : i32 to index
        %swap3A_712 = tpu.vector_load %arg11[%swap3A_709, %swap3A_710, %swap3A_711] {strides = array<i32>} : memref<4x80x128xf32, #tpu.memory_space<vmem>>, vector<1x1x16xf32>,
        %swap3A_713 = vector.shape_cast %swap3A_712 : vector<1x1x16xf32> to vector<16xf32>
        %swap3A_714 = vector.shape_cast %broadcast_in_dim3A_705 : vector<16xf32> to vector<1x1x16xf32>
        tpu.vector_store %arg11[%swap3A_709, %swap3A_710, %swap3A_711], %swap3A_714 {strides = array<i32>} : memref<4x80x128xf32, #tpu.memory_space<vmem>>, vector<1x1x16xf32>,
      }
      %scan3A_702 = arith.constant 8 : i32
    }
    %scan3A_498 = arith.constant 80 : i32
    %mul3A_499 = arith.constant 640 : i32
    %mul3A_500 = arith.muli %arg1, %mul3A_499 : i32
    %multiple_of3A = tpu.assume_multiple %mul3A_500, 128 : i32
    %add3A_501 = arith.constant 0 : i32
    %add3A_502 = arith.addi %multiple_of3A, %add3A_501 : i32
    %run_scoped3A = arith.constant 0 : i32
    "tpu.region"() ({
      %run_scoped3A_697 = tpu.sem_alloc : memref<!tpu.dma_semaphore, #tpu.memory_space<semaphore_mem>>
      %dma_start3A_698 = arith.constant 0 : i32
      %dma_start3A_699 = arith.constant 0 : i32
      %dma_start3A_700 = tpu.memref_slice %arg11[%run_scoped3A, %dma_start3A_698, %dma_start3A_699] : memref<4x80x128xf32, #tpu.memory_space<vmem>> -> memref<1x80x128xf32, #tpu.memory_space<vmem>>
      %dma_start3A_701 = tpu.memref_squeeze %dma_start3A_700 : memref<1x80x128xf32, #tpu.memory_space<vmem>> -> memref<80x128xf32, #tpu.memory_space<vmem>>
      %dma_start3A_702 = arith.constant 0 : i32
      %dma_start3A_703 = tpu.memref_slice %arg7[%add3A_502, %dma_start3A_702] : memref<10240x128xf32, #tpu.memory_space<vmem_shared>> -> memref<80x128xf32, #tpu.memory_space<vmem_shared>>
      %dma_start3A_704 = arith.constant 0 : i32
      %dma_start3A_705 = tpu.memref_slice %arg7[%add3A_502, %dma_start3A_704] : memref<10240x128xf32, #tpu.memory_space<vmem_shared>> -> memref<80x128xf32, #tpu.memory_space<vmem_shared>>
      %dma_start3A_706 = arith.constant 0 : i32
      %dma_start3A_707 = arith.constant 0 : i32
      %dma_start3A_708 = tpu.memref_slice %arg11[%run_scoped3A, %dma_start3A_706, %dma_start3A_707] : memref<4x80x128xf32, #tpu.memory_space<vmem>> -> memref<1x80x128xf32, #tpu.memory_space<vmem>>
      %dma_start3A_709 = tpu.memref_squeeze %dma_start3A_708 : memref<1x80x128xf32, #tpu.memory_space<vmem>> -> memref<80x128xf32, #tpu.memory_space<vmem>>
      tpu.enqueue_dma source(%dma_start3A_709 : memref<80x128xf32, #tpu.memory_space<vmem>>) target(%dma_start3A_705 : memref<80x128xf32, #tpu.memory_space<vmem_shared>>) target_semaphore(%run_scoped3A_697 : memref<!tpu.dma_semaphore, #tpu.memory_space<semaphore_mem>>)
      %dma_wait3A_710 = arith.constant 0 : i32
      %dma_wait3A_711 = arith.constant 0 : i32
      %dma_wait3A_712 = tpu.memref_slice %arg11[%run_scoped3A, %dma_wait3A_710, %dma_wait3A_711] : memref<4x80x128xf32, #tpu.memory_space<vmem>> -> memref<1x80x128xf32, #tpu.memory_space<vmem>>
      %dma_wait3A_713 = tpu.memref_squeeze %dma_wait3A_712 : memref<1x80x128xf32, #tpu.memory_space<vmem>> -> memref<80x128xf32, #tpu.memory_space<vmem>>
      %dma_wait3A_714 = arith.constant 0 : i32
      %dma_wait3A_715 = tpu.memref_slice %arg7[%add3A_502, %dma_wait3A_714] : memref<10240x128xf32, #tpu.memory_space<vmem_shared>> -> memref<80x128xf32, #tpu.memory_space<vmem_shared>>
      %dma_wait3A_716 = arith.constant 0 : i32
      %dma_wait3A_717 = tpu.memref_slice %arg7[%add3A_502, %dma_wait3A_716] : memref<10240x128xf32, #tpu.memory_space<vmem_shared>> -> memref<80x128xf32, #tpu.memory_space<vmem_shared>>
      %dma_wait3A_718 = arith.constant 0 : i32
      %dma_wait3A_719 = arith.constant 0 : i32
      %dma_wait3A_720 = tpu.memref_slice %arg11[%run_scoped3A, %dma_wait3A_718, %dma_wait3A_719] : memref<4x80x128xf32, #tpu.memory_space<vmem>> -> memref<1x80x128xf32, #tpu.memory_space<vmem>>
      %dma_wait3A_721 = tpu.memref_squeeze %dma_wait3A_720 : memref<1x80x128xf32, #tpu.memory_space<vmem>> -> memref<80x128xf32, #tpu.memory_space<vmem>>
      tpu.wait_dma2 semaphore(%run_scoped3A_697 : memref<!tpu.dma_semaphore, #tpu.memory_space<semaphore_mem>>) src(%dma_wait3A_721 : memref<80x128xf32, #tpu.memory_space<vmem>>) dst(%dma_wait3A_717 : memref<80x128xf32, #tpu.memory_space<vmem_shared>>)
      tpu.yield
    }) : () -> ()
    %add3A_503 = arith.constant 80 : i32
    %add3A_504 = arith.addi %multiple_of3A, %add3A_503 : i32
    %run_scoped3A_505 = arith.constant 0 : i32
    "tpu.region"() ({
      %run_scoped3A_697 = tpu.sem_alloc : memref<!tpu.dma_semaphore, #tpu.memory_space<semaphore_mem>>
      %dma_start3A_698 = arith.constant 0 : i32
      %dma_start3A_699 = arith.constant 0 : i32
      %dma_start3A_700 = tpu.memref_slice %arg11[%run_scoped3A_505, %dma_start3A_698, %dma_start3A_699] : memref<4x80x128xf32, #tpu.memory_space<vmem>> -> memref<1x80x128xf32, #tpu.memory_space<vmem>>
      %dma_start3A_701 = tpu.memref_squeeze %dma_start3A_700 : memref<1x80x128xf32, #tpu.memory_space<vmem>> -> memref<80x128xf32, #tpu.memory_space<vmem>>
      %dma_start3A_702 = arith.constant 0 : i32
      %dma_start3A_703 = tpu.memref_slice %arg7[%add3A_504, %dma_start3A_702] : memref<10240x128xf32, #tpu.memory_space<vmem_shared>> -> memref<80x128xf32, #tpu.memory_space<vmem_shared>>
      %dma_start3A_704 = arith.constant 0 : i32
      %dma_start3A_705 = tpu.memref_slice %arg7[%add3A_504, %dma_start3A_704] : memref<10240x128xf32, #tpu.memory_space<vmem_shared>> -> memref<80x128xf32, #tpu.memory_space<vmem_shared>>
      %dma_start3A_706 = arith.constant 0 : i32
      %dma_start3A_707 = arith.constant 0 : i32
      %dma_start3A_708 = tpu.memref_slice %arg11[%run_scoped3A_505, %dma_start3A_706, %dma_start3A_707] : memref<4x80x128xf32, #tpu.memory_space<vmem>> -> memref<1x80x128xf32, #tpu.memory_space<vmem>>
      %dma_start3A_709 = tpu.memref_squeeze %dma_start3A_708 : memref<1x80x128xf32, #tpu.memory_space<vmem>> -> memref<80x128xf32, #tpu.memory_space<vmem>>
      tpu.enqueue_dma source(%dma_start3A_709 : memref<80x128xf32, #tpu.memory_space<vmem>>) target(%dma_start3A_705 : memref<80x128xf32, #tpu.memory_space<vmem_shared>>) target_semaphore(%run_scoped3A_697 : memref<!tpu.dma_semaphore, #tpu.memory_space<semaphore_mem>>)
      %dma_wait3A_710 = arith.constant 0 : i32
      %dma_wait3A_711 = arith.constant 0 : i32
      %dma_wait3A_712 = tpu.memref_slice %arg11[%run_scoped3A_505, %dma_wait3A_710, %dma_wait3A_711] : memref<4x80x128xf32, #tpu.memory_space<vmem>> -> memref<1x80x128xf32, #tpu.memory_space<vmem>>
      %dma_wait3A_713 = tpu.memref_squeeze %dma_wait3A_712 : memref<1x80x128xf32, #tpu.memory_space<vmem>> -> memref<80x128xf32, #tpu.memory_space<vmem>>
      %dma_wait3A_714 = arith.constant 0 : i32
      %dma_wait3A_715 = tpu.memref_slice %arg7[%add3A_504, %dma_wait3A_714] : memref<10240x128xf32, #tpu.memory_space<vmem_shared>> -> memref<80x128xf32, #tpu.memory_space<vmem_shared>>
      %dma_wait3A_716 = arith.constant 0 : i32
      %dma_wait3A_717 = tpu.memref_slice %arg7[%add3A_504, %dma_wait3A_716] : memref<10240x128xf32, #tpu.memory_space<vmem_shared>> -> memref<80x128xf32, #tpu.memory_space<vmem_shared>>
      %dma_wait3A_718 = arith.constant 0 : i32
      %dma_wait3A_719 = arith.constant 0 : i32
      %dma_wait3A_720 = tpu.memref_slice %arg11[%run_scoped3A_505, %dma_wait3A_718, %dma_wait3A_719] : memref<4x80x128xf32, #tpu.memory_space<vmem>> -> memref<1x80x128xf32, #tpu.memory_space<vmem>>
      %dma_wait3A_721 = tpu.memref_squeeze %dma_wait3A_720 : memref<1x80x128xf32, #tpu.memory_space<vmem>> -> memref<80x128xf32, #tpu.memory_space<vmem>>
      tpu.wait_dma2 semaphore(%run_scoped3A_697 : memref<!tpu.dma_semaphore, #tpu.memory_space<semaphore_mem>>) src(%dma_wait3A_721 : memref<80x128xf32, #tpu.memory_space<vmem>>) dst(%dma_wait3A_717 : memref<80x128xf32, #tpu.memory_space<vmem_shared>>)
      tpu.yield
    }) : () -> ()
    %add3A_506 = arith.constant 160 : i32
    %add3A_507 = arith.addi %multiple_of3A, %add3A_506 : i32
    %run_scoped3A_508 = arith.constant 0 : i32
    "tpu.region"() ({
      %run_scoped3A_697 = tpu.sem_alloc : memref<!tpu.dma_semaphore, #tpu.memory_space<semaphore_mem>>
      %dma_start3A_698 = arith.constant 0 : i32
      %dma_start3A_699 = arith.constant 0 : i32
      %dma_start3A_700 = tpu.memref_slice %arg11[%run_scoped3A_508, %dma_start3A_698, %dma_start3A_699] : memref<4x80x128xf32, #tpu.memory_space<vmem>> -> memref<1x80x128xf32, #tpu.memory_space<vmem>>
      %dma_start3A_701 = tpu.memref_squeeze %dma_start3A_700 : memref<1x80x128xf32, #tpu.memory_space<vmem>> -> memref<80x128xf32, #tpu.memory_space<vmem>>
      %dma_start3A_702 = arith.constant 0 : i32
      %dma_start3A_703 = tpu.memref_slice %arg7[%add3A_507, %dma_start3A_702] : memref<10240x128xf32, #tpu.memory_space<vmem_shared>> -> memref<80x128xf32, #tpu.memory_space<vmem_shared>>
      %dma_start3A_704 = arith.constant 0 : i32
      %dma_start3A_705 = tpu.memref_slice %arg7[%add3A_507, %dma_start3A_704] : memref<10240x128xf32, #tpu.memory_space<vmem_shared>> -> memref<80x128xf32, #tpu.memory_space<vmem_shared>>
      %dma_start3A_706 = arith.constant 0 : i32
      %dma_start3A_707 = arith.constant 0 : i32
      %dma_start3A_708 = tpu.memref_slice %arg11[%run_scoped3A_508, %dma_start3A_706, %dma_start3A_707] : memref<4x80x128xf32, #tpu.memory_space<vmem>> -> memref<1x80x128xf32, #tpu.memory_space<vmem>>
      %dma_start3A_709 = tpu.memref_squeeze %dma_start3A_708 : memref<1x80x128xf32, #tpu.memory_space<vmem>> -> memref<80x128xf32, #tpu.memory_space<vmem>>
      tpu.enqueue_dma source(%dma_start3A_709 : memref<80x128xf32, #tpu.memory_space<vmem>>) target(%dma_start3A_705 : memref<80x128xf32, #tpu.memory_space<vmem_shared>>) target_semaphore(%run_scoped3A_697 : memref<!tpu.dma_semaphore, #tpu.memory_space<semaphore_mem>>)
      %dma_wait3A_710 = arith.constant 0 : i32
      %dma_wait3A_711 = arith.constant 0 : i32
      %dma_wait3A_712 = tpu.memref_slice %arg11[%run_scoped3A_508, %dma_wait3A_710, %dma_wait3A_711] : memref<4x80x128xf32, #tpu.memory_space<vmem>> -> memref<1x80x128xf32, #tpu.memory_space<vmem>>
      %dma_wait3A_713 = tpu.memref_squeeze %dma_wait3A_712 : memref<1x80x128xf32, #tpu.memory_space<vmem>> -> memref<80x128xf32, #tpu.memory_space<vmem>>
      %dma_wait3A_714 = arith.constant 0 : i32
      %dma_wait3A_715 = tpu.memref_slice %arg7[%add3A_507, %dma_wait3A_714] : memref<10240x128xf32, #tpu.memory_space<vmem_shared>> -> memref<80x128xf32, #tpu.memory_space<vmem_shared>>
      %dma_wait3A_716 = arith.constant 0 : i32
      %dma_wait3A_717 = tpu.memref_slice %arg7[%add3A_507, %dma_wait3A_716] : memref<10240x128xf32, #tpu.memory_space<vmem_shared>> -> memref<80x128xf32, #tpu.memory_space<vmem_shared>>
      %dma_wait3A_718 = arith.constant 0 : i32
      %dma_wait3A_719 = arith.constant 0 : i32
      %dma_wait3A_720 = tpu.memref_slice %arg11[%run_scoped3A_508, %dma_wait3A_718, %dma_wait3A_719] : memref<4x80x128xf32, #tpu.memory_space<vmem>> -> memref<1x80x128xf32, #tpu.memory_space<vmem>>
      %dma_wait3A_721 = tpu.memref_squeeze %dma_wait3A_720 : memref<1x80x128xf32, #tpu.memory_space<vmem>> -> memref<80x128xf32, #tpu.memory_space<vmem>>
      tpu.wait_dma2 semaphore(%run_scoped3A_697 : memref<!tpu.dma_semaphore, #tpu.memory_space<semaphore_mem>>) src(%dma_wait3A_721 : memref<80x128xf32, #tpu.memory_space<vmem>>) dst(%dma_wait3A_717 : memref<80x128xf32, #tpu.memory_space<vmem_shared>>)
      tpu.yield
    }) : () -> ()
    %add3A_509 = arith.constant 240 : i32
    %add3A_510 = arith.addi %multiple_of3A, %add3A_509 : i32
    %run_scoped3A_511 = arith.constant 0 : i32
    "tpu.region"() ({
      %run_scoped3A_697 = tpu.sem_alloc : memref<!tpu.dma_semaphore, #tpu.memory_space<semaphore_mem>>
      %dma_start3A_698 = arith.constant 0 : i32
      %dma_start3A_699 = arith.constant 0 : i32
      %dma_start3A_700 = tpu.memref_slice %arg11[%run_scoped3A_511, %dma_start3A_698, %dma_start3A_699] : memref<4x80x128xf32, #tpu.memory_space<vmem>> -> memref<1x80x128xf32, #tpu.memory_space<vmem>>
      %dma_start3A_701 = tpu.memref_squeeze %dma_start3A_700 : memref<1x80x128xf32, #tpu.memory_space<vmem>> -> memref<80x128xf32, #tpu.memory_space<vmem>>
      %dma_start3A_702 = arith.constant 0 : i32
      %dma_start3A_703 = tpu.memref_slice %arg7[%add3A_510, %dma_start3A_702] : memref<10240x128xf32, #tpu.memory_space<vmem_shared>> -> memref<80x128xf32, #tpu.memory_space<vmem_shared>>
      %dma_start3A_704 = arith.constant 0 : i32
      %dma_start3A_705 = tpu.memref_slice %arg7[%add3A_510, %dma_start3A_704] : memref<10240x128xf32, #tpu.memory_space<vmem_shared>> -> memref<80x128xf32, #tpu.memory_space<vmem_shared>>
      %dma_start3A_706 = arith.constant 0 : i32
      %dma_start3A_707 = arith.constant 0 : i32
      %dma_start3A_708 = tpu.memref_slice %arg11[%run_scoped3A_511, %dma_start3A_706, %dma_start3A_707] : memref<4x80x128xf32, #tpu.memory_space<vmem>> -> memref<1x80x128xf32, #tpu.memory_space<vmem>>
      %dma_start3A_709 = tpu.memref_squeeze %dma_start3A_708 : memref<1x80x128xf32, #tpu.memory_space<vmem>> -> memref<80x128xf32, #tpu.memory_space<vmem>>
      tpu.enqueue_dma source(%dma_start3A_709 : memref<80x128xf32, #tpu.memory_space<vmem>>) target(%dma_start3A_705 : memref<80x128xf32, #tpu.memory_space<vmem_shared>>) target_semaphore(%run_scoped3A_697 : memref<!tpu.dma_semaphore, #tpu.memory_space<semaphore_mem>>)
      %dma_wait3A_710 = arith.constant 0 : i32
      %dma_wait3A_711 = arith.constant 0 : i32
      %dma_wait3A_712 = tpu.memref_slice %arg11[%run_scoped3A_511, %dma_wait3A_710, %dma_wait3A_711] : memref<4x80x128xf32, #tpu.memory_space<vmem>> -> memref<1x80x128xf32, #tpu.memory_space<vmem>>
      %dma_wait3A_713 = tpu.memref_squeeze %dma_wait3A_712 : memref<1x80x128xf32, #tpu.memory_space<vmem>> -> memref<80x128xf32, #tpu.memory_space<vmem>>
      %dma_wait3A_714 = arith.constant 0 : i32
      %dma_wait3A_715 = tpu.memref_slice %arg7[%add3A_510, %dma_wait3A_714] : memref<10240x128xf32, #tpu.memory_space<vmem_shared>> -> memref<80x128xf32, #tpu.memory_space<vmem_shared>>
      %dma_wait3A_716 = arith.constant 0 : i32
      %dma_wait3A_717 = tpu.memref_slice %arg7[%add3A_510, %dma_wait3A_716] : memref<10240x128xf32, #tpu.memory_space<vmem_shared>> -> memref<80x128xf32, #tpu.memory_space<vmem_shared>>
      %dma_wait3A_718 = arith.constant 0 : i32
      %dma_wait3A_719 = arith.constant 0 : i32
      %dma_wait3A_720 = tpu.memref_slice %arg11[%run_scoped3A_511, %dma_wait3A_718, %dma_wait3A_719] : memref<4x80x128xf32, #tpu.memory_space<vmem>> -> memref<1x80x128xf32, #tpu.memory_space<vmem>>
      %dma_wait3A_721 = tpu.memref_squeeze %dma_wait3A_720 : memref<1x80x128xf32, #tpu.memory_space<vmem>> -> memref<80x128xf32, #tpu.memory_space<vmem>>
      tpu.wait_dma2 semaphore(%run_scoped3A_697 : memref<!tpu.dma_semaphore, #tpu.memory_space<semaphore_mem>>) src(%dma_wait3A_721 : memref<80x128xf32, #tpu.memory_space<vmem>>) dst(%dma_wait3A_717 : memref<80x128xf32, #tpu.memory_space<vmem_shared>>)
      tpu.yield
    }) : () -> ()
    %add3A_512 = arith.constant 320 : i32
    %add3A_513 = arith.addi %multiple_of3A, %add3A_512 : i32
    %run_scoped3A_514 = arith.constant 0 : i32
    "tpu.region"() ({
      %run_scoped3A_697 = tpu.sem_alloc : memref<!tpu.dma_semaphore, #tpu.memory_space<semaphore_mem>>
      %dma_start3A_698 = arith.constant 0 : i32
      %dma_start3A_699 = arith.constant 0 : i32
      %dma_start3A_700 = tpu.memref_slice %arg11[%run_scoped3A_514, %dma_start3A_698, %dma_start3A_699] : memref<4x80x128xf32, #tpu.memory_space<vmem>> -> memref<1x80x128xf32, #tpu.memory_space<vmem>>
      %dma_start3A_701 = tpu.memref_squeeze %dma_start3A_700 : memref<1x80x128xf32, #tpu.memory_space<vmem>> -> memref<80x128xf32, #tpu.memory_space<vmem>>
      %dma_start3A_702 = arith.constant 0 : i32
      %dma_start3A_703 = tpu.memref_slice %arg7[%add3A_513, %dma_start3A_702] : memref<10240x128xf32, #tpu.memory_space<vmem_shared>> -> memref<80x128xf32, #tpu.memory_space<vmem_shared>>
      %dma_start3A_704 = arith.constant 0 : i32
      %dma_start3A_705 = tpu.memref_slice %arg7[%add3A_513, %dma_start3A_704] : memref<10240x128xf32, #tpu.memory_space<vmem_shared>> -> memref<80x128xf32, #tpu.memory_space<vmem_shared>>
      %dma_start3A_706 = arith.constant 0 : i32
      %dma_start3A_707 = arith.constant 0 : i32
      %dma_start3A_708 = tpu.memref_slice %arg11[%run_scoped3A_514, %dma_start3A_706, %dma_start3A_707] : memref<4x80x128xf32, #tpu.memory_space<vmem>> -> memref<1x80x128xf32, #tpu.memory_space<vmem>>
      %dma_start3A_709 = tpu.memref_squeeze %dma_start3A_708 : memref<1x80x128xf32, #tpu.memory_space<vmem>> -> memref<80x128xf32, #tpu.memory_space<vmem>>
      tpu.enqueue_dma source(%dma_start3A_709 : memref<80x128xf32, #tpu.memory_space<vmem>>) target(%dma_start3A_705 : memref<80x128xf32, #tpu.memory_space<vmem_shared>>) target_semaphore(%run_scoped3A_697 : memref<!tpu.dma_semaphore, #tpu.memory_space<semaphore_mem>>)
      %dma_wait3A_710 = arith.constant 0 : i32
      %dma_wait3A_711 = arith.constant 0 : i32
      %dma_wait3A_712 = tpu.memref_slice %arg11[%run_scoped3A_514, %dma_wait3A_710, %dma_wait3A_711] : memref<4x80x128xf32, #tpu.memory_space<vmem>> -> memref<1x80x128xf32, #tpu.memory_space<vmem>>
      %dma_wait3A_713 = tpu.memref_squeeze %dma_wait3A_712 : memref<1x80x128xf32, #tpu.memory_space<vmem>> -> memref<80x128xf32, #tpu.memory_space<vmem>>
      %dma_wait3A_714 = arith.constant 0 : i32
      %dma_wait3A_715 = tpu.memref_slice %arg7[%add3A_513, %dma_wait3A_714] : memref<10240x128xf32, #tpu.memory_space<vmem_shared>> -> memref<80x128xf32, #tpu.memory_space<vmem_shared>>
      %dma_wait3A_716 = arith.constant 0 : i32
      %dma_wait3A_717 = tpu.memref_slice %arg7[%add3A_513, %dma_wait3A_716] : memref<10240x128xf32, #tpu.memory_space<vmem_shared>> -> memref<80x128xf32, #tpu.memory_space<vmem_shared>>
      %dma_wait3A_718 = arith.constant 0 : i32
      %dma_wait3A_719 = arith.constant 0 : i32
      %dma_wait3A_720 = tpu.memref_slice %arg11[%run_scoped3A_514, %dma_wait3A_718, %dma_wait3A_719] : memref<4x80x128xf32, #tpu.memory_space<vmem>> -> memref<1x80x128xf32, #tpu.memory_space<vmem>>
      %dma_wait3A_721 = tpu.memref_squeeze %dma_wait3A_720 : memref<1x80x128xf32, #tpu.memory_space<vmem>> -> memref<80x128xf32, #tpu.memory_space<vmem>>
      tpu.wait_dma2 semaphore(%run_scoped3A_697 : memref<!tpu.dma_semaphore, #tpu.memory_space<semaphore_mem>>) src(%dma_wait3A_721 : memref<80x128xf32, #tpu.memory_space<vmem>>) dst(%dma_wait3A_717 : memref<80x128xf32, #tpu.memory_space<vmem_shared>>)
      tpu.yield
    }) : () -> ()
    %add3A_515 = arith.constant 400 : i32
    %add3A_516 = arith.addi %multiple_of3A, %add3A_515 : i32
    %run_scoped3A_517 = arith.constant 0 : i32
    "tpu.region"() ({
      %run_scoped3A_697 = tpu.sem_alloc : memref<!tpu.dma_semaphore, #tpu.memory_space<semaphore_mem>>
      %dma_start3A_698 = arith.constant 0 : i32
      %dma_start3A_699 = arith.constant 0 : i32
      %dma_start3A_700 = tpu.memref_slice %arg11[%run_scoped3A_517, %dma_start3A_698, %dma_start3A_699] : memref<4x80x128xf32, #tpu.memory_space<vmem>> -> memref<1x80x128xf32, #tpu.memory_space<vmem>>
      %dma_start3A_701 = tpu.memref_squeeze %dma_start3A_700 : memref<1x80x128xf32, #tpu.memory_space<vmem>> -> memref<80x128xf32, #tpu.memory_space<vmem>>
      %dma_start3A_702 = arith.constant 0 : i32
      %dma_start3A_703 = tpu.memref_slice %arg7[%add3A_516, %dma_start3A_702] : memref<10240x128xf32, #tpu.memory_space<vmem_shared>> -> memref<80x128xf32, #tpu.memory_space<vmem_shared>>
      %dma_start3A_704 = arith.constant 0 : i32
      %dma_start3A_705 = tpu.memref_slice %arg7[%add3A_516, %dma_start3A_704] : memref<10240x128xf32, #tpu.memory_space<vmem_shared>> -> memref<80x128xf32, #tpu.memory_space<vmem_shared>>
      %dma_start3A_706 = arith.constant 0 : i32
      %dma_start3A_707 = arith.constant 0 : i32
      %dma_start3A_708 = tpu.memref_slice %arg11[%run_scoped3A_517, %dma_start3A_706, %dma_start3A_707] : memref<4x80x128xf32, #tpu.memory_space<vmem>> -> memref<1x80x128xf32, #tpu.memory_space<vmem>>
      %dma_start3A_709 = tpu.memref_squeeze %dma_start3A_708 : memref<1x80x128xf32, #tpu.memory_space<vmem>> -> memref<80x128xf32, #tpu.memory_space<vmem>>
      tpu.enqueue_dma source(%dma_start3A_709 : memref<80x128xf32, #tpu.memory_space<vmem>>) target(%dma_start3A_705 : memref<80x128xf32, #tpu.memory_space<vmem_shared>>) target_semaphore(%run_scoped3A_697 : memref<!tpu.dma_semaphore, #tpu.memory_space<semaphore_mem>>)
      %dma_wait3A_710 = arith.constant 0 : i32
      %dma_wait3A_711 = arith.constant 0 : i32
      %dma_wait3A_712 = tpu.memref_slice %arg11[%run_scoped3A_517, %dma_wait3A_710, %dma_wait3A_711] : memref<4x80x128xf32, #tpu.memory_space<vmem>> -> memref<1x80x128xf32, #tpu.memory_space<vmem>>
      %dma_wait3A_713 = tpu.memref_squeeze %dma_wait3A_712 : memref<1x80x128xf32, #tpu.memory_space<vmem>> -> memref<80x128xf32, #tpu.memory_space<vmem>>
      %dma_wait3A_714 = arith.constant 0 : i32
      %dma_wait3A_715 = tpu.memref_slice %arg7[%add3A_516, %dma_wait3A_714] : memref<10240x128xf32, #tpu.memory_space<vmem_shared>> -> memref<80x128xf32, #tpu.memory_space<vmem_shared>>
      %dma_wait3A_716 = arith.constant 0 : i32
      %dma_wait3A_717 = tpu.memref_slice %arg7[%add3A_516, %dma_wait3A_716] : memref<10240x128xf32, #tpu.memory_space<vmem_shared>> -> memref<80x128xf32, #tpu.memory_space<vmem_shared>>
      %dma_wait3A_718 = arith.constant 0 : i32
      %dma_wait3A_719 = arith.constant 0 : i32
      %dma_wait3A_720 = tpu.memref_slice %arg11[%run_scoped3A_517, %dma_wait3A_718, %dma_wait3A_719] : memref<4x80x128xf32, #tpu.memory_space<vmem>> -> memref<1x80x128xf32, #tpu.memory_space<vmem>>
      %dma_wait3A_721 = tpu.memref_squeeze %dma_wait3A_720 : memref<1x80x128xf32, #tpu.memory_space<vmem>> -> memref<80x128xf32, #tpu.memory_space<vmem>>
      tpu.wait_dma2 semaphore(%run_scoped3A_697 : memref<!tpu.dma_semaphore, #tpu.memory_space<semaphore_mem>>) src(%dma_wait3A_721 : memref<80x128xf32, #tpu.memory_space<vmem>>) dst(%dma_wait3A_717 : memref<80x128xf32, #tpu.memory_space<vmem_shared>>)
      tpu.yield
    }) : () -> ()
    %add3A_518 = arith.constant 480 : i32
    %add3A_519 = arith.addi %multiple_of3A, %add3A_518 : i32
    %run_scoped3A_520 = arith.constant 0 : i32
    "tpu.region"() ({
      %run_scoped3A_697 = tpu.sem_alloc : memref<!tpu.dma_semaphore, #tpu.memory_space<semaphore_mem>>
      %dma_start3A_698 = arith.constant 0 : i32
      %dma_start3A_699 = arith.constant 0 : i32
      %dma_start3A_700 = tpu.memref_slice %arg11[%run_scoped3A_520, %dma_start3A_698, %dma_start3A_699] : memref<4x80x128xf32, #tpu.memory_space<vmem>> -> memref<1x80x128xf32, #tpu.memory_space<vmem>>
      %dma_start3A_701 = tpu.memref_squeeze %dma_start3A_700 : memref<1x80x128xf32, #tpu.memory_space<vmem>> -> memref<80x128xf32, #tpu.memory_space<vmem>>
      %dma_start3A_702 = arith.constant 0 : i32
      %dma_start3A_703 = tpu.memref_slice %arg7[%add3A_519, %dma_start3A_702] : memref<10240x128xf32, #tpu.memory_space<vmem_shared>> -> memref<80x128xf32, #tpu.memory_space<vmem_shared>>
      %dma_start3A_704 = arith.constant 0 : i32
      %dma_start3A_705 = tpu.memref_slice %arg7[%add3A_519, %dma_start3A_704] : memref<10240x128xf32, #tpu.memory_space<vmem_shared>> -> memref<80x128xf32, #tpu.memory_space<vmem_shared>>
      %dma_start3A_706 = arith.constant 0 : i32
      %dma_start3A_707 = arith.constant 0 : i32
      %dma_start3A_708 = tpu.memref_slice %arg11[%run_scoped3A_520, %dma_start3A_706, %dma_start3A_707] : memref<4x80x128xf32, #tpu.memory_space<vmem>> -> memref<1x80x128xf32, #tpu.memory_space<vmem>>
      %dma_start3A_709 = tpu.memref_squeeze %dma_start3A_708 : memref<1x80x128xf32, #tpu.memory_space<vmem>> -> memref<80x128xf32, #tpu.memory_space<vmem>>
      tpu.enqueue_dma source(%dma_start3A_709 : memref<80x128xf32, #tpu.memory_space<vmem>>) target(%dma_start3A_705 : memref<80x128xf32, #tpu.memory_space<vmem_shared>>) target_semaphore(%run_scoped3A_697 : memref<!tpu.dma_semaphore, #tpu.memory_space<semaphore_mem>>)
      %dma_wait3A_710 = arith.constant 0 : i32
      %dma_wait3A_711 = arith.constant 0 : i32
      %dma_wait3A_712 = tpu.memref_slice %arg11[%run_scoped3A_520, %dma_wait3A_710, %dma_wait3A_711] : memref<4x80x128xf32, #tpu.memory_space<vmem>> -> memref<1x80x128xf32, #tpu.memory_space<vmem>>
      %dma_wait3A_713 = tpu.memref_squeeze %dma_wait3A_712 : memref<1x80x128xf32, #tpu.memory_space<vmem>> -> memref<80x128xf32, #tpu.memory_space<vmem>>
      %dma_wait3A_714 = arith.constant 0 : i32
      %dma_wait3A_715 = tpu.memref_slice %arg7[%add3A_519, %dma_wait3A_714] : memref<10240x128xf32, #tpu.memory_space<vmem_shared>> -> memref<80x128xf32, #tpu.memory_space<vmem_shared>>
      %dma_wait3A_716 = arith.constant 0 : i32
      %dma_wait3A_717 = tpu.memref_slice %arg7[%add3A_519, %dma_wait3A_716] : memref<10240x128xf32, #tpu.memory_space<vmem_shared>> -> memref<80x128xf32, #tpu.memory_space<vmem_shared>>
      %dma_wait3A_718 = arith.constant 0 : i32
      %dma_wait3A_719 = arith.constant 0 : i32
      %dma_wait3A_720 = tpu.memref_slice %arg11[%run_scoped3A_520, %dma_wait3A_718, %dma_wait3A_719] : memref<4x80x128xf32, #tpu.memory_space<vmem>> -> memref<1x80x128xf32, #tpu.memory_space<vmem>>
      %dma_wait3A_721 = tpu.memref_squeeze %dma_wait3A_720 : memref<1x80x128xf32, #tpu.memory_space<vmem>> -> memref<80x128xf32, #tpu.memory_space<vmem>>
      tpu.wait_dma2 semaphore(%run_scoped3A_697 : memref<!tpu.dma_semaphore, #tpu.memory_space<semaphore_mem>>) src(%dma_wait3A_721 : memref<80x128xf32, #tpu.memory_space<vmem>>) dst(%dma_wait3A_717 : memref<80x128xf32, #tpu.memory_space<vmem_shared>>)
      tpu.yield
    }) : () -> ()
    %add3A_521 = arith.constant 560 : i32
    %add3A_522 = arith.addi %multiple_of3A, %add3A_521 : i32
    %run_scoped3A_523 = arith.constant 0 : i32
    "tpu.region"() ({
      %run_scoped3A_697 = tpu.sem_alloc : memref<!tpu.dma_semaphore, #tpu.memory_space<semaphore_mem>>
      %dma_start3A_698 = arith.constant 0 : i32
      %dma_start3A_699 = arith.constant 0 : i32
      %dma_start3A_700 = tpu.memref_slice %arg11[%run_scoped3A_523, %dma_start3A_698, %dma_start3A_699] : memref<4x80x128xf32, #tpu.memory_space<vmem>> -> memref<1x80x128xf32, #tpu.memory_space<vmem>>
      %dma_start3A_701 = tpu.memref_squeeze %dma_start3A_700 : memref<1x80x128xf32, #tpu.memory_space<vmem>> -> memref<80x128xf32, #tpu.memory_space<vmem>>
      %dma_start3A_702 = arith.constant 0 : i32
      %dma_start3A_703 = tpu.memref_slice %arg7[%add3A_522, %dma_start3A_702] : memref<10240x128xf32, #tpu.memory_space<vmem_shared>> -> memref<80x128xf32, #tpu.memory_space<vmem_shared>>
      %dma_start3A_704 = arith.constant 0 : i32
      %dma_start3A_705 = tpu.memref_slice %arg7[%add3A_522, %dma_start3A_704] : memref<10240x128xf32, #tpu.memory_space<vmem_shared>> -> memref<80x128xf32, #tpu.memory_space<vmem_shared>>
      %dma_start3A_706 = arith.constant 0 : i32
      %dma_start3A_707 = arith.constant 0 : i32
      %dma_start3A_708 = tpu.memref_slice %arg11[%run_scoped3A_523, %dma_start3A_706, %dma_start3A_707] : memref<4x80x128xf32, #tpu.memory_space<vmem>> -> memref<1x80x128xf32, #tpu.memory_space<vmem>>
      %dma_start3A_709 = tpu.memref_squeeze %dma_start3A_708 : memref<1x80x128xf32, #tpu.memory_space<vmem>> -> memref<80x128xf32, #tpu.memory_space<vmem>>
      tpu.enqueue_dma source(%dma_start3A_709 : memref<80x128xf32, #tpu.memory_space<vmem>>) target(%dma_start3A_705 : memref<80x128xf32, #tpu.memory_space<vmem_shared>>) target_semaphore(%run_scoped3A_697 : memref<!tpu.dma_semaphore, #tpu.memory_space<semaphore_mem>>)
      %dma_wait3A_710 = arith.constant 0 : i32
      %dma_wait3A_711 = arith.constant 0 : i32
      %dma_wait3A_712 = tpu.memref_slice %arg11[%run_scoped3A_523, %dma_wait3A_710, %dma_wait3A_711] : memref<4x80x128xf32, #tpu.memory_space<vmem>> -> memref<1x80x128xf32, #tpu.memory_space<vmem>>
      %dma_wait3A_713 = tpu.memref_squeeze %dma_wait3A_712 : memref<1x80x128xf32, #tpu.memory_space<vmem>> -> memref<80x128xf32, #tpu.memory_space<vmem>>
      %dma_wait3A_714 = arith.constant 0 : i32
      %dma_wait3A_715 = tpu.memref_slice %arg7[%add3A_522, %dma_wait3A_714] : memref<10240x128xf32, #tpu.memory_space<vmem_shared>> -> memref<80x128xf32, #tpu.memory_space<vmem_shared>>
      %dma_wait3A_716 = arith.constant 0 : i32
      %dma_wait3A_717 = tpu.memref_slice %arg7[%add3A_522, %dma_wait3A_716] : memref<10240x128xf32, #tpu.memory_space<vmem_shared>> -> memref<80x128xf32, #tpu.memory_space<vmem_shared>>
      %dma_wait3A_718 = arith.constant 0 : i32
      %dma_wait3A_719 = arith.constant 0 : i32
      %dma_wait3A_720 = tpu.memref_slice %arg11[%run_scoped3A_523, %dma_wait3A_718, %dma_wait3A_719] : memref<4x80x128xf32, #tpu.memory_space<vmem>> -> memref<1x80x128xf32, #tpu.memory_space<vmem>>
      %dma_wait3A_721 = tpu.memref_squeeze %dma_wait3A_720 : memref<1x80x128xf32, #tpu.memory_space<vmem>> -> memref<80x128xf32, #tpu.memory_space<vmem>>
      tpu.wait_dma2 semaphore(%run_scoped3A_697 : memref<!tpu.dma_semaphore, #tpu.memory_space<semaphore_mem>>) src(%dma_wait3A_721 : memref<80x128xf32, #tpu.memory_space<vmem>>) dst(%dma_wait3A_717 : memref<80x128xf32, #tpu.memory_space<vmem_shared>>)
      tpu.yield
    }) : () -> ()
    "tpu.region"() ({
      %run_scoped3A_697 = tpu.sem_alloc : memref<!tpu.dma_semaphore, #tpu.memory_space<semaphore_mem>>
      %dma_start3A_698 = tpu.memref_slice %arg8[%multiple_of3A] : memref<10240xf32, #tpu.memory_space<vmem_shared>> -> memref<640xf32, #tpu.memory_space<vmem_shared>>
      %dma_start3A_699 = tpu.memref_slice %arg8[%multiple_of3A] : memref<10240xf32, #tpu.memory_space<vmem_shared>> -> memref<640xf32, #tpu.memory_space<vmem_shared>>
      tpu.enqueue_dma source(%arg13 : memref<640xf32, #tpu.memory_space<vmem>>) target(%dma_start3A_699 : memref<640xf32, #tpu.memory_space<vmem_shared>>) target_semaphore(%run_scoped3A_697 : memref<!tpu.dma_semaphore, #tpu.memory_space<semaphore_mem>>)
      %dma_wait3A_700 = tpu.memref_slice %arg8[%multiple_of3A] : memref<10240xf32, #tpu.memory_space<vmem_shared>> -> memref<640xf32, #tpu.memory_space<vmem_shared>>
      %dma_wait3A_701 = tpu.memref_slice %arg8[%multiple_of3A] : memref<10240xf32, #tpu.memory_space<vmem_shared>> -> memref<640xf32, #tpu.memory_space<vmem_shared>>
      tpu.wait_dma2 semaphore(%run_scoped3A_697 : memref<!tpu.dma_semaphore, #tpu.memory_space<semaphore_mem>>) src(%arg13 : memref<640xf32, #tpu.memory_space<vmem>>) dst(%dma_wait3A_701 : memref<640xf32, #tpu.memory_space<vmem_shared>>)
      tpu.yield
    }) : () -> ()
    %dma_wait3A_524 = arith.constant 0 : i32
    %dma_wait3A_525 = arith.constant 0 : i32
    %dma_wait3A_526 = arith.constant 0 : i32
    %dma_wait3A_527 = tpu.memref_slice %arg9[%dma_wait3A_524, %dma_wait3A_526] : memref<6x80xi32, #tpu.memory_space<vmem>> -> memref<1x80xi32, #tpu.memory_space<vmem>>
    %dma_wait3A_528 = tpu.memref_squeeze %dma_wait3A_527 : memref<1x80xi32, #tpu.memory_space<vmem>> -> memref<80xi32, #tpu.memory_space<vmem>>
    %dma_wait3A_529 = arith.constant 0 : i32
    %dma_wait3A_530 = tpu.memref_slice %arg3[%dma_wait3A_529] : memref<320000xi32, #tpu.memory_space<hbm>> -> memref<80xi32, #tpu.memory_space<hbm>>
    %dma_wait3A_531 = tpu.memref_slice %arg16[%dma_wait3A_525] : memref<6x!tpu.dma_semaphore, #tpu.memory_space<semaphore_mem>> -> memref<1x!tpu.dma_semaphore, #tpu.memory_space<semaphore_mem>>
    %dma_wait3A_532 = tpu.memref_squeeze %dma_wait3A_531 : memref<1x!tpu.dma_semaphore, #tpu.memory_space<semaphore_mem>> -> memref<!tpu.dma_semaphore, #tpu.memory_space<semaphore_mem>>
    %dma_wait3A_533 = arith.constant 0 : i32
    %dma_wait3A_534 = tpu.memref_slice %arg9[%dma_wait3A_524, %dma_wait3A_533] : memref<6x80xi32, #tpu.memory_space<vmem>> -> memref<1x80xi32, #tpu.memory_space<vmem>>
    %dma_wait3A_535 = tpu.memref_squeeze %dma_wait3A_534 : memref<1x80xi32, #tpu.memory_space<vmem>> -> memref<80xi32, #tpu.memory_space<vmem>>
    %dma_wait3A_536 = arith.constant 0 : i32
    %dma_wait3A_537 = tpu.memref_slice %arg3[%dma_wait3A_536] : memref<320000xi32, #tpu.memory_space<hbm>> -> memref<80xi32, #tpu.memory_space<hbm>>
    tpu.wait_dma2 semaphore(%dma_wait3A_532 : memref<!tpu.dma_semaphore, #tpu.memory_space<semaphore_mem>>) src(%dma_wait3A_537 : memref<80xi32, #tpu.memory_space<hbm>>) dst(%dma_wait3A_535 : memref<80xi32, #tpu.memory_space<vmem>>)
    %dma_wait3A_538 = arith.constant 0 : i32
    %dma_wait3A_539 = arith.constant 0 : i32
    %dma_wait3A_540 = arith.constant 0 : i32
    %dma_wait3A_541 = tpu.memref_slice %arg10[%dma_wait3A_538, %dma_wait3A_540] : memref<6x80xi32, #tpu.memory_space<vmem>> -> memref<1x80xi32, #tpu.memory_space<vmem>>
    %dma_wait3A_542 = tpu.memref_squeeze %dma_wait3A_541 : memref<1x80xi32, #tpu.memory_space<vmem>> -> memref<80xi32, #tpu.memory_space<vmem>>
    %dma_wait3A_543 = arith.constant 0 : i32
    %dma_wait3A_544 = tpu.memref_slice %arg4[%dma_wait3A_543] : memref<320000xi32, #tpu.memory_space<hbm>> -> memref<80xi32, #tpu.memory_space<hbm>>
    %dma_wait3A_545 = tpu.memref_slice %arg16[%dma_wait3A_539] : memref<6x!tpu.dma_semaphore, #tpu.memory_space<semaphore_mem>> -> memref<1x!tpu.dma_semaphore, #tpu.memory_space<semaphore_mem>>
    %dma_wait3A_546 = tpu.memref_squeeze %dma_wait3A_545 : memref<1x!tpu.dma_semaphore, #tpu.memory_space<semaphore_mem>> -> memref<!tpu.dma_semaphore, #tpu.memory_space<semaphore_mem>>
    %dma_wait3A_547 = arith.constant 0 : i32
    %dma_wait3A_548 = tpu.memref_slice %arg10[%dma_wait3A_538, %dma_wait3A_547] : memref<6x80xi32, #tpu.memory_space<vmem>> -> memref<1x80xi32, #tpu.memory_space<vmem>>
    %dma_wait3A_549 = tpu.memref_squeeze %dma_wait3A_548 : memref<1x80xi32, #tpu.memory_space<vmem>> -> memref<80xi32, #tpu.memory_space<vmem>>
    %dma_wait3A_550 = arith.constant 0 : i32
    %dma_wait3A_551 = tpu.memref_slice %arg4[%dma_wait3A_550] : memref<320000xi32, #tpu.memory_space<hbm>> -> memref<80xi32, #tpu.memory_space<hbm>>
    tpu.wait_dma2 semaphore(%dma_wait3A_546 : memref<!tpu.dma_semaphore, #tpu.memory_space<semaphore_mem>>) src(%dma_wait3A_551 : memref<80xi32, #tpu.memory_space<hbm>>) dst(%dma_wait3A_549 : memref<80xi32, #tpu.memory_space<vmem>>)
    %dma_start3A_552 = arith.constant 0 : i32
    %dma_start3A_553 = arith.constant 0 : i32
    %dma_start3A_554 = arith.constant 0 : i32
    %dma_start3A_555 = arith.constant 0 : i32
    %dma_start3A_556 = arith.constant 0 : i32
    %dma_start3A_557 = tpu.memref_slice %arg11[%dma_start3A_553, %dma_start3A_555, %dma_start3A_556] : memref<4x80x128xf32, #tpu.memory_space<vmem>> -> memref<1x80x128xf32, #tpu.memory_space<vmem>>
    %dma_start3A_558 = tpu.memref_squeeze %dma_start3A_557 : memref<1x80x128xf32, #tpu.memory_space<vmem>> -> memref<80x128xf32, #tpu.memory_space<vmem>>
    %dma_start3A_559 = arith.constant 0 : i32
    %dma_start3A_560 = tpu.memref_slice %arg9[%dma_start3A_552, %dma_start3A_559] : memref<6x80xi32, #tpu.memory_space<vmem>> -> memref<1x80xi32, #tpu.memory_space<vmem>>
    %dma_start3A_561 = tpu.memref_squeeze %dma_start3A_560 : memref<1x80xi32, #tpu.memory_space<vmem>> -> memref<80xi32, #tpu.memory_space<vmem>>
    %dma_start3A_562 = arith.constant 0 : i32
    %dma_start3A_563 = arith.constant 0 : i32
    %dma_start3A_564 = tpu.memref_slice %arg2[%dma_start3A_562, %dma_start3A_563] : memref<10000x128xf32, #tpu.memory_space<hbm>> -> memref<10000x128xf32, #tpu.memory_space<hbm>>
    %dma_start3A_565 = tpu.memref_slice %arg14[%dma_start3A_554] : memref<4x!tpu.dma_semaphore, #tpu.memory_space<semaphore_mem>> -> memref<1x!tpu.dma_semaphore, #tpu.memory_space<semaphore_mem>>
    %dma_start3A_566 = tpu.memref_squeeze %dma_start3A_565 : memref<1x!tpu.dma_semaphore, #tpu.memory_space<semaphore_mem>> -> memref<!tpu.dma_semaphore, #tpu.memory_space<semaphore_mem>>
    tpu.enqueue_indirect_dma source(%dma_start3A_564 : memref<10000x128xf32, #tpu.memory_space<hbm>>) target(%dma_start3A_558 : memref<80x128xf32, #tpu.memory_space<vmem>>) offsets(%dma_start3A_561 : memref<80xi32, #tpu.memory_space<vmem>>) semaphore(%dma_start3A_566 : memref<!tpu.dma_semaphore, #tpu.memory_space<semaphore_mem>>)
    %barrier3A = arith.constant 0 : index
    tpu.barrier barrier_id(%barrier3A)
    %scan3A_567 = arith.constant 0 : i32
    %scan3A_568 = arith.constant 125 : i32
    %scan3A_569 = arith.addi %scan3A_567, %scan3A_568 : i32
    %scan3A_570 = arith.constant 1 : i32
    scf.for %scan3A_697 = %scan3A_567 to %scan3A_569 step %scan3A_570  : i32 {
      %rem3A = arith.constant 4 : i32
      %rem3A_698 = arith.remsi %scan3A_697, %rem3A : i32
      %rem3A_699 = arith.constant 6 : i32
      %rem3A_700 = arith.remsi %scan3A_697, %rem3A_699 : i32
      %dma_wait3A_701 = arith.constant 0 : i32
      %dma_wait3A_702 = arith.constant 0 : i32
      %dma_wait3A_703 = tpu.memref_slice %arg11[%rem3A_698, %dma_wait3A_701, %dma_wait3A_702] : memref<4x80x128xf32, #tpu.memory_space<vmem>> -> memref<1x80x128xf32, #tpu.memory_space<vmem>>
      %dma_wait3A_704 = tpu.memref_squeeze %dma_wait3A_703 : memref<1x80x128xf32, #tpu.memory_space<vmem>> -> memref<80x128xf32, #tpu.memory_space<vmem>>
      %dma_wait3A_705 = arith.constant 0 : i32
      %dma_wait3A_706 = tpu.memref_slice %arg9[%rem3A_700, %dma_wait3A_705] : memref<6x80xi32, #tpu.memory_space<vmem>> -> memref<1x80xi32, #tpu.memory_space<vmem>>
      %dma_wait3A_707 = tpu.memref_squeeze %dma_wait3A_706 : memref<1x80xi32, #tpu.memory_space<vmem>> -> memref<80xi32, #tpu.memory_space<vmem>>
      %dma_wait3A_708 = arith.constant 0 : i32
      %dma_wait3A_709 = arith.constant 0 : i32
      %dma_wait3A_710 = tpu.memref_slice %arg2[%dma_wait3A_708, %dma_wait3A_709] : memref<10000x128xf32, #tpu.memory_space<hbm>> -> memref<10000x128xf32, #tpu.memory_space<hbm>>
      %dma_wait3A_711 = tpu.memref_slice %arg14[%rem3A_698] : memref<4x!tpu.dma_semaphore, #tpu.memory_space<semaphore_mem>> -> memref<1x!tpu.dma_semaphore, #tpu.memory_space<semaphore_mem>>
      %dma_wait3A_712 = tpu.memref_squeeze %dma_wait3A_711 : memref<1x!tpu.dma_semaphore, #tpu.memory_space<semaphore_mem>> -> memref<!tpu.dma_semaphore, #tpu.memory_space<semaphore_mem>>
      tpu.wait_indirect_dma semaphore(%dma_wait3A_712 : memref<!tpu.dma_semaphore, #tpu.memory_space<semaphore_mem>>) src(%dma_wait3A_710 : memref<10000x128xf32, #tpu.memory_space<hbm>>) dst(%dma_wait3A_704 : memref<80x128xf32, #tpu.memory_space<vmem>>)
      %add3A_713 = arith.constant 3 : i32
      %add3A_714 = arith.addi %scan3A_697, %add3A_713 : i32
      %lt3A = arith.constant 125 : i32
      %lt3A_715 = arith.cmpi slt, %add3A_714, %lt3A : i32
      %convert_element_type3A = arith.extui %lt3A_715 : i1 to i32
      %cond3A = arith.constant 0 : i32
      %cond3A_716 = arith.cmpi ne, %convert_element_type3A, %cond3A : i32
      scf.if %cond3A_716 {
        %add3A_745 = arith.constant 3 : i32
        %add3A_746 = arith.addi %scan3A_697, %add3A_745 : i32
        %rem3A_747 = arith.constant 4 : i32
        %rem3A_748 = arith.remsi %add3A_746, %rem3A_747 : i32
        %add3A_749 = arith.constant 3 : i32
        %add3A_750 = arith.addi %scan3A_697, %add3A_749 : i32
        %rem3A_751 = arith.constant 6 : i32
        %rem3A_752 = arith.remsi %add3A_750, %rem3A_751 : i32
        %ge3A = arith.constant 1 : i32
        %ge3A_753 = arith.cmpi sge, %scan3A_697, %ge3A : i32
        %convert_element_type3A_754 = arith.extui %ge3A_753 : i1 to i32
        %cond3A_755 = arith.constant 0 : i32
        %cond3A_756 = arith.cmpi ne, %convert_element_type3A_754, %cond3A_755 : i32
        scf.if %cond3A_756 {
          %dma_wait3A_793 = arith.constant 0 : i32
          %dma_wait3A_794 = arith.constant 0 : i32
          %dma_wait3A_795 = arith.constant 0 : i32
          %dma_wait3A_796 = tpu.memref_slice %arg11[%rem3A_748, %dma_wait3A_794, %dma_wait3A_795] : memref<4x80x128xf32, #tpu.memory_space<vmem>> -> memref<1x80x128xf32, #tpu.memory_space<vmem>>
          %dma_wait3A_797 = tpu.memref_squeeze %dma_wait3A_796 : memref<1x80x128xf32, #tpu.memory_space<vmem>> -> memref<80x128xf32, #tpu.memory_space<vmem>>
          %dma_wait3A_798 = arith.constant 0 : i32
          %dma_wait3A_799 = tpu.memref_slice %arg10[%dma_wait3A_793, %dma_wait3A_798] : memref<6x80xi32, #tpu.memory_space<vmem>> -> memref<1x80xi32, #tpu.memory_space<vmem>>
          %dma_wait3A_800 = tpu.memref_squeeze %dma_wait3A_799 : memref<1x80xi32, #tpu.memory_space<vmem>> -> memref<80xi32, #tpu.memory_space<vmem>>
          %dma_wait3A_801 = arith.constant 0 : i32
          %dma_wait3A_802 = arith.constant 0 : i32
          %dma_wait3A_803 = tpu.memref_slice %arg7[%dma_wait3A_801, %dma_wait3A_802] : memref<10240x128xf32, #tpu.memory_space<vmem_shared>> -> memref<10240x128xf32, #tpu.memory_space<vmem_shared>>
          %dma_wait3A_804 = tpu.memref_slice %arg15[%rem3A_748] : memref<4x!tpu.dma_semaphore, #tpu.memory_space<semaphore_mem>> -> memref<1x!tpu.dma_semaphore, #tpu.memory_space<semaphore_mem>>
          %dma_wait3A_805 = tpu.memref_squeeze %dma_wait3A_804 : memref<1x!tpu.dma_semaphore, #tpu.memory_space<semaphore_mem>> -> memref<!tpu.dma_semaphore, #tpu.memory_space<semaphore_mem>>
          tpu.wait_indirect_dma semaphore(%dma_wait3A_805 : memref<!tpu.dma_semaphore, #tpu.memory_space<semaphore_mem>>) src(%dma_wait3A_797 : memref<80x128xf32, #tpu.memory_space<vmem>>) dst(%dma_wait3A_803 : memref<10240x128xf32, #tpu.memory_space<vmem_shared>>)
          %dma_wait3A_806 = arith.constant 0 : i32
          %dma_wait3A_807 = arith.constant 0 : i32
          %dma_wait3A_808 = tpu.memref_slice %arg10[%dma_wait3A_806, %dma_wait3A_807] : memref<6x80xi32, #tpu.memory_space<vmem>> -> memref<1x80xi32, #tpu.memory_space<vmem>>
          %dma_wait3A_809 = tpu.memref_squeeze %dma_wait3A_808 : memref<1x80xi32, #tpu.memory_space<vmem>> -> memref<80xi32, #tpu.memory_space<vmem>>
          %dma_wait3A_810 = arith.constant 0 : i32
          %dma_wait3A_811 = tpu.memref_slice %arg8[%dma_wait3A_810] : memref<10240xf32, #tpu.memory_space<vmem_shared>> -> memref<10240xf32, #tpu.memory_space<vmem_shared>>
          %dma_wait3A_812 = tpu.memref_slice %arg15[%rem3A_748] : memref<4x!tpu.dma_semaphore, #tpu.memory_space<semaphore_mem>> -> memref<1x!tpu.dma_semaphore, #tpu.memory_space<semaphore_mem>>
          %dma_wait3A_813 = tpu.memref_squeeze %dma_wait3A_812 : memref<1x!tpu.dma_semaphore, #tpu.memory_space<semaphore_mem>> -> memref<!tpu.dma_semaphore, #tpu.memory_space<semaphore_mem>>
          tpu.wait_indirect_dma semaphore(%dma_wait3A_813 : memref<!tpu.dma_semaphore, #tpu.memory_space<semaphore_mem>>) src(%arg12 : memref<80xf32, #tpu.memory_space<vmem>>) dst(%dma_wait3A_811 : memref<10240xf32, #tpu.memory_space<vmem_shared>>)
        } else {
        }
        %dma_wait3A_757 = arith.constant 0 : i32
        %dma_wait3A_758 = tpu.memref_slice %arg9[%rem3A_752, %dma_wait3A_757] : memref<6x80xi32, #tpu.memory_space<vmem>> -> memref<1x80xi32, #tpu.memory_space<vmem>>
        %dma_wait3A_759 = tpu.memref_squeeze %dma_wait3A_758 : memref<1x80xi32, #tpu.memory_space<vmem>> -> memref<80xi32, #tpu.memory_space<vmem>>
        %dma_wait3A_760 = arith.constant 0 : i32
        %dma_wait3A_761 = tpu.memref_slice %arg3[%dma_wait3A_760] : memref<320000xi32, #tpu.memory_space<hbm>> -> memref<80xi32, #tpu.memory_space<hbm>>
        %dma_wait3A_762 = tpu.memref_slice %arg16[%rem3A_752] : memref<6x!tpu.dma_semaphore, #tpu.memory_space<semaphore_mem>> -> memref<1x!tpu.dma_semaphore, #tpu.memory_space<semaphore_mem>>
        %dma_wait3A_763 = tpu.memref_squeeze %dma_wait3A_762 : memref<1x!tpu.dma_semaphore, #tpu.memory_space<semaphore_mem>> -> memref<!tpu.dma_semaphore, #tpu.memory_space<semaphore_mem>>
        %dma_wait3A_764 = arith.constant 0 : i32
        %dma_wait3A_765 = tpu.memref_slice %arg9[%rem3A_752, %dma_wait3A_764] : memref<6x80xi32, #tpu.memory_space<vmem>> -> memref<1x80xi32, #tpu.memory_space<vmem>>
        %dma_wait3A_766 = tpu.memref_squeeze %dma_wait3A_765 : memref<1x80xi32, #tpu.memory_space<vmem>> -> memref<80xi32, #tpu.memory_space<vmem>>
        %dma_wait3A_767 = arith.constant 0 : i32
        %dma_wait3A_768 = tpu.memref_slice %arg3[%dma_wait3A_767] : memref<320000xi32, #tpu.memory_space<hbm>> -> memref<80xi32, #tpu.memory_space<hbm>>
        tpu.wait_dma2 semaphore(%dma_wait3A_763 : memref<!tpu.dma_semaphore, #tpu.memory_space<semaphore_mem>>) src(%dma_wait3A_768 : memref<80xi32, #tpu.memory_space<hbm>>) dst(%dma_wait3A_766 : memref<80xi32, #tpu.memory_space<vmem>>)
        %dma_wait3A_769 = arith.constant 0 : i32
        %dma_wait3A_770 = tpu.memref_slice %arg10[%rem3A_752, %dma_wait3A_769] : memref<6x80xi32, #tpu.memory_space<vmem>> -> memref<1x80xi32, #tpu.memory_space<vmem>>
        %dma_wait3A_771 = tpu.memref_squeeze %dma_wait3A_770 : memref<1x80xi32, #tpu.memory_space<vmem>> -> memref<80xi32, #tpu.memory_space<vmem>>
        %dma_wait3A_772 = arith.constant 0 : i32
        %dma_wait3A_773 = tpu.memref_slice %arg4[%dma_wait3A_772] : memref<320000xi32, #tpu.memory_space<hbm>> -> memref<80xi32, #tpu.memory_space<hbm>>
        %dma_wait3A_774 = tpu.memref_slice %arg16[%rem3A_752] : memref<6x!tpu.dma_semaphore, #tpu.memory_space<semaphore_mem>> -> memref<1x!tpu.dma_semaphore, #tpu.memory_space<semaphore_mem>>
        %dma_wait3A_775 = tpu.memref_squeeze %dma_wait3A_774 : memref<1x!tpu.dma_semaphore, #tpu.memory_space<semaphore_mem>> -> memref<!tpu.dma_semaphore, #tpu.memory_space<semaphore_mem>>
        %dma_wait3A_776 = arith.constant 0 : i32
        %dma_wait3A_777 = tpu.memref_slice %arg10[%rem3A_752, %dma_wait3A_776] : memref<6x80xi32, #tpu.memory_space<vmem>> -> memref<1x80xi32, #tpu.memory_space<vmem>>
        %dma_wait3A_778 = tpu.memref_squeeze %dma_wait3A_777 : memref<1x80xi32, #tpu.memory_space<vmem>> -> memref<80xi32, #tpu.memory_space<vmem>>
        %dma_wait3A_779 = arith.constant 0 : i32
        %dma_wait3A_780 = tpu.memref_slice %arg4[%dma_wait3A_779] : memref<320000xi32, #tpu.memory_space<hbm>> -> memref<80xi32, #tpu.memory_space<hbm>>
        tpu.wait_dma2 semaphore(%dma_wait3A_775 : memref<!tpu.dma_semaphore, #tpu.memory_space<semaphore_mem>>) src(%dma_wait3A_780 : memref<80xi32, #tpu.memory_space<hbm>>) dst(%dma_wait3A_778 : memref<80xi32, #tpu.memory_space<vmem>>)
        %dma_start3A_781 = arith.constant 0 : i32
        %dma_start3A_782 = arith.constant 0 : i32
        %dma_start3A_783 = tpu.memref_slice %arg11[%rem3A_748, %dma_start3A_781, %dma_start3A_782] : memref<4x80x128xf32, #tpu.memory_space<vmem>> -> memref<1x80x128xf32, #tpu.memory_space<vmem>>
        %dma_start3A_784 = tpu.memref_squeeze %dma_start3A_783 : memref<1x80x128xf32, #tpu.memory_space<vmem>> -> memref<80x128xf32, #tpu.memory_space<vmem>>
        %dma_start3A_785 = arith.constant 0 : i32
        %dma_start3A_786 = tpu.memref_slice %arg9[%rem3A_752, %dma_start3A_785] : memref<6x80xi32, #tpu.memory_space<vmem>> -> memref<1x80xi32, #tpu.memory_space<vmem>>
        %dma_start3A_787 = tpu.memref_squeeze %dma_start3A_786 : memref<1x80xi32, #tpu.memory_space<vmem>> -> memref<80xi32, #tpu.memory_space<vmem>>
        %dma_start3A_788 = arith.constant 0 : i32
        %dma_start3A_789 = arith.constant 0 : i32
        %dma_start3A_790 = tpu.memref_slice %arg2[%dma_start3A_788, %dma_start3A_789] : memref<10000x128xf32, #tpu.memory_space<hbm>> -> memref<10000x128xf32, #tpu.memory_space<hbm>>
        %dma_start3A_791 = tpu.memref_slice %arg14[%rem3A_748] : memref<4x!tpu.dma_semaphore, #tpu.memory_space<semaphore_mem>> -> memref<1x!tpu.dma_semaphore, #tpu.memory_space<semaphore_mem>>
        %dma_start3A_792 = tpu.memref_squeeze %dma_start3A_791 : memref<1x!tpu.dma_semaphore, #tpu.memory_space<semaphore_mem>> -> memref<!tpu.dma_semaphore, #tpu.memory_space<semaphore_mem>>
        tpu.enqueue_indirect_dma source(%dma_start3A_790 : memref<10000x128xf32, #tpu.memory_space<hbm>>) target(%dma_start3A_784 : memref<80x128xf32, #tpu.memory_space<vmem>>) offsets(%dma_start3A_787 : memref<80xi32, #tpu.memory_space<vmem>>) semaphore(%dma_start3A_792 : memref<!tpu.dma_semaphore, #tpu.memory_space<semaphore_mem>>)
      } else {
      }
      %dma_start3A_717 = arith.constant 0 : i32
      %dma_start3A_718 = arith.constant 0 : i32
      %dma_start3A_719 = tpu.memref_slice %arg11[%rem3A_698, %dma_start3A_717, %dma_start3A_718] : memref<4x80x128xf32, #tpu.memory_space<vmem>> -> memref<1x80x128xf32, #tpu.memory_space<vmem>>
      %dma_start3A_720 = tpu.memref_squeeze %dma_start3A_719 : memref<1x80x128xf32, #tpu.memory_space<vmem>> -> memref<80x128xf32, #tpu.memory_space<vmem>>
      %dma_start3A_721 = arith.constant 0 : i32
      %dma_start3A_722 = tpu.memref_slice %arg10[%rem3A_700, %dma_start3A_721] : memref<6x80xi32, #tpu.memory_space<vmem>> -> memref<1x80xi32, #tpu.memory_space<vmem>>
      %dma_start3A_723 = tpu.memref_squeeze %dma_start3A_722 : memref<1x80xi32, #tpu.memory_space<vmem>> -> memref<80xi32, #tpu.memory_space<vmem>>
      %dma_start3A_724 = arith.constant 0 : i32
      %dma_start3A_725 = arith.constant 0 : i32
      %dma_start3A_726 = tpu.memref_slice %arg7[%dma_start3A_724, %dma_start3A_725] : memref<10240x128xf32, #tpu.memory_space<vmem_shared>> -> memref<10240x128xf32, #tpu.memory_space<vmem_shared>>
      %dma_start3A_727 = tpu.memref_slice %arg15[%rem3A_698] : memref<4x!tpu.dma_semaphore, #tpu.memory_space<semaphore_mem>> -> memref<1x!tpu.dma_semaphore, #tpu.memory_space<semaphore_mem>>
      %dma_start3A_728 = tpu.memref_squeeze %dma_start3A_727 : memref<1x!tpu.dma_semaphore, #tpu.memory_space<semaphore_mem>> -> memref<!tpu.dma_semaphore, #tpu.memory_space<semaphore_mem>>
      tpu.enqueue_indirect_dma source(%dma_start3A_720 : memref<80x128xf32, #tpu.memory_space<vmem>>) target(%dma_start3A_726 : memref<10240x128xf32, #tpu.memory_space<vmem_shared>>) offsets(%dma_start3A_723 : memref<80xi32, #tpu.memory_space<vmem>>) semaphore(%dma_start3A_728 : memref<!tpu.dma_semaphore, #tpu.memory_space<semaphore_mem>>) {add = true}
      %dma_start3A_729 = arith.constant 0 : i32
      %dma_start3A_730 = tpu.memref_slice %arg10[%rem3A_700, %dma_start3A_729] : memref<6x80xi32, #tpu.memory_space<vmem>> -> memref<1x80xi32, #tpu.memory_space<vmem>>
      %dma_start3A_731 = tpu.memref_squeeze %dma_start3A_730 : memref<1x80xi32, #tpu.memory_space<vmem>> -> memref<80xi32, #tpu.memory_space<vmem>>
      %dma_start3A_732 = arith.constant 0 : i32
      %dma_start3A_733 = tpu.memref_slice %arg8[%dma_start3A_732] : memref<10240xf32, #tpu.memory_space<vmem_shared>> -> memref<10240xf32, #tpu.memory_space<vmem_shared>>
      %dma_start3A_734 = tpu.memref_slice %arg15[%rem3A_698] : memref<4x!tpu.dma_semaphore, #tpu.memory_space<semaphore_mem>> -> memref<1x!tpu.dma_semaphore, #tpu.memory_space<semaphore_mem>>
      %dma_start3A_735 = tpu.memref_squeeze %dma_start3A_734 : memref<1x!tpu.dma_semaphore, #tpu.memory_space<semaphore_mem>> -> memref<!tpu.dma_semaphore, #tpu.memory_space<semaphore_mem>>
      tpu.enqueue_indirect_dma source(%arg12 : memref<80xf32, #tpu.memory_space<vmem>>) target(%dma_start3A_733 : memref<10240xf32, #tpu.memory_space<vmem_shared>>) offsets(%dma_start3A_731 : memref<80xi32, #tpu.memory_space<vmem>>) semaphore(%dma_start3A_735 : memref<!tpu.dma_semaphore, #tpu.memory_space<semaphore_mem>>) {add = true}
      %add3A_736 = arith.constant 3 : i32
      %add3A_737 = arith.addi %scan3A_697, %add3A_736 : i32
      %add3A_738 = arith.constant 2 : i32
      %add3A_739 = arith.addi %add3A_737, %add3A_738 : i32
      %lt3A_740 = arith.constant 125 : i32
      %lt3A_741 = arith.cmpi slt, %add3A_739, %lt3A_740 : i32
      %convert_element_type3A_742 = arith.extui %lt3A_741 : i1 to i32
      %cond3A_743 = arith.constant 0 : i32
      %cond3A_744 = arith.cmpi ne, %convert_element_type3A_742, %cond3A_743 : i32
      scf.if %cond3A_744 {
        %add3A_745 = arith.constant 3 : i32
        %add3A_746 = arith.addi %scan3A_697, %add3A_745 : i32
        %add3A_747 = arith.constant 2 : i32
        %add3A_748 = arith.addi %add3A_746, %add3A_747 : i32
        %add3A_749 = arith.constant 3 : i32
        %add3A_750 = arith.addi %scan3A_697, %add3A_749 : i32
        %add3A_751 = arith.constant 2 : i32
        %add3A_752 = arith.addi %add3A_750, %add3A_751 : i32
        %rem3A_753 = arith.constant 6 : i32
        %rem3A_754 = arith.remsi %add3A_752, %rem3A_753 : i32
        %mul3A_755 = arith.constant 80 : i32
        %mul3A_756 = arith.muli %add3A_748, %mul3A_755 : i32
        %add3A_757 = arith.addi %mul3A_2, %mul3A_756 : i32
        %dma_start3A_758 = arith.constant 0 : i32
        %dma_start3A_759 = tpu.memref_slice %arg9[%rem3A_754, %dma_start3A_758] : memref<6x80xi32, #tpu.memory_space<vmem>> -> memref<1x80xi32, #tpu.memory_space<vmem>>
        %dma_start3A_760 = tpu.memref_squeeze %dma_start3A_759 : memref<1x80xi32, #tpu.memory_space<vmem>> -> memref<80xi32, #tpu.memory_space<vmem>>
        %dma_start3A_761 = tpu.memref_slice %arg3[%add3A_757] : memref<320000xi32, #tpu.memory_space<hbm>> -> memref<80xi32, #tpu.memory_space<hbm>>
        %dma_start3A_762 = tpu.memref_slice %arg16[%rem3A_754] : memref<6x!tpu.dma_semaphore, #tpu.memory_space<semaphore_mem>> -> memref<1x!tpu.dma_semaphore, #tpu.memory_space<semaphore_mem>>
        %dma_start3A_763 = tpu.memref_squeeze %dma_start3A_762 : memref<1x!tpu.dma_semaphore, #tpu.memory_space<semaphore_mem>> -> memref<!tpu.dma_semaphore, #tpu.memory_space<semaphore_mem>>
        %dma_start3A_764 = arith.constant 0 : i32
        %dma_start3A_765 = tpu.memref_slice %arg9[%rem3A_754, %dma_start3A_764] : memref<6x80xi32, #tpu.memory_space<vmem>> -> memref<1x80xi32, #tpu.memory_space<vmem>>
        %dma_start3A_766 = tpu.memref_squeeze %dma_start3A_765 : memref<1x80xi32, #tpu.memory_space<vmem>> -> memref<80xi32, #tpu.memory_space<vmem>>
        %dma_start3A_767 = tpu.memref_slice %arg3[%add3A_757] : memref<320000xi32, #tpu.memory_space<hbm>> -> memref<80xi32, #tpu.memory_space<hbm>>
        tpu.enqueue_dma source(%dma_start3A_767 : memref<80xi32, #tpu.memory_space<hbm>>) target(%dma_start3A_766 : memref<80xi32, #tpu.memory_space<vmem>>) target_semaphore(%dma_start3A_763 : memref<!tpu.dma_semaphore, #tpu.memory_space<semaphore_mem>>)
        %mul3A_768 = arith.constant 80 : i32
        %mul3A_769 = arith.muli %add3A_748, %mul3A_768 : i32
        %add3A_770 = arith.addi %mul3A_2, %mul3A_769 : i32
        %dma_start3A_771 = arith.constant 0 : i32
        %dma_start3A_772 = tpu.memref_slice %arg10[%rem3A_754, %dma_start3A_771] : memref<6x80xi32, #tpu.memory_space<vmem>> -> memref<1x80xi32, #tpu.memory_space<vmem>>
        %dma_start3A_773 = tpu.memref_squeeze %dma_start3A_772 : memref<1x80xi32, #tpu.memory_space<vmem>> -> memref<80xi32, #tpu.memory_space<vmem>>
        %dma_start3A_774 = tpu.memref_slice %arg4[%add3A_770] : memref<320000xi32, #tpu.memory_space<hbm>> -> memref<80xi32, #tpu.memory_space<hbm>>
        %dma_start3A_775 = tpu.memref_slice %arg16[%rem3A_754] : memref<6x!tpu.dma_semaphore, #tpu.memory_space<semaphore_mem>> -> memref<1x!tpu.dma_semaphore, #tpu.memory_space<semaphore_mem>>
        %dma_start3A_776 = tpu.memref_squeeze %dma_start3A_775 : memref<1x!tpu.dma_semaphore, #tpu.memory_space<semaphore_mem>> -> memref<!tpu.dma_semaphore, #tpu.memory_space<semaphore_mem>>
        %dma_start3A_777 = arith.constant 0 : i32
        %dma_start3A_778 = tpu.memref_slice %arg10[%rem3A_754, %dma_start3A_777] : memref<6x80xi32, #tpu.memory_space<vmem>> -> memref<1x80xi32, #tpu.memory_space<vmem>>
        %dma_start3A_779 = tpu.memref_squeeze %dma_start3A_778 : memref<1x80xi32, #tpu.memory_space<vmem>> -> memref<80xi32, #tpu.memory_space<vmem>>
        %dma_start3A_780 = tpu.memref_slice %arg4[%add3A_770] : memref<320000xi32, #tpu.memory_space<hbm>> -> memref<80xi32, #tpu.memory_space<hbm>>
        tpu.enqueue_dma source(%dma_start3A_780 : memref<80xi32, #tpu.memory_space<hbm>>) target(%dma_start3A_779 : memref<80xi32, #tpu.memory_space<vmem>>) target_semaphore(%dma_start3A_776 : memref<!tpu.dma_semaphore, #tpu.memory_space<semaphore_mem>>)
      } else {
      }
    }
    %scan3A_571 = arith.constant 125 : i32
    %dma_wait3A_572 = arith.constant 1 : i32
    %dma_wait3A_573 = arith.constant 0 : i32
    %dma_wait3A_574 = arith.constant 1 : i32
    %dma_wait3A_575 = arith.constant 0 : i32
    %dma_wait3A_576 = arith.constant 0 : i32
    %dma_wait3A_577 = tpu.memref_slice %arg11[%dma_wait3A_572, %dma_wait3A_575, %dma_wait3A_576] : memref<4x80x128xf32, #tpu.memory_space<vmem>> -> memref<1x80x128xf32, #tpu.memory_space<vmem>>
    %dma_wait3A_578 = tpu.memref_squeeze %dma_wait3A_577 : memref<1x80x128xf32, #tpu.memory_space<vmem>> -> memref<80x128xf32, #tpu.memory_space<vmem>>
    %dma_wait3A_579 = arith.constant 0 : i32
    %dma_wait3A_580 = tpu.memref_slice %arg10[%dma_wait3A_573, %dma_wait3A_579] : memref<6x80xi32, #tpu.memory_space<vmem>> -> memref<1x80xi32, #tpu.memory_space<vmem>>
    %dma_wait3A_581 = tpu.memref_squeeze %dma_wait3A_580 : memref<1x80xi32, #tpu.memory_space<vmem>> -> memref<80xi32, #tpu.memory_space<vmem>>
    %dma_wait3A_582 = arith.constant 0 : i32
    %dma_wait3A_583 = arith.constant 0 : i32
    %dma_wait3A_584 = tpu.memref_slice %arg7[%dma_wait3A_582, %dma_wait3A_583] : memref<10240x128xf32, #tpu.memory_space<vmem_shared>> -> memref<10240x128xf32, #tpu.memory_space<vmem_shared>>
    %dma_wait3A_585 = tpu.memref_slice %arg15[%dma_wait3A_574] : memref<4x!tpu.dma_semaphore, #tpu.memory_space<semaphore_mem>> -> memref<1x!tpu.dma_semaphore, #tpu.memory_space<semaphore_mem>>
    %dma_wait3A_586 = tpu.memref_squeeze %dma_wait3A_585 : memref<1x!tpu.dma_semaphore, #tpu.memory_space<semaphore_mem>> -> memref<!tpu.dma_semaphore, #tpu.memory_space<semaphore_mem>>
    tpu.wait_indirect_dma semaphore(%dma_wait3A_586 : memref<!tpu.dma_semaphore, #tpu.memory_space<semaphore_mem>>) src(%dma_wait3A_578 : memref<80x128xf32, #tpu.memory_space<vmem>>) dst(%dma_wait3A_584 : memref<10240x128xf32, #tpu.memory_space<vmem_shared>>)
    %dma_wait3A_587 = arith.constant 0 : i32
    %dma_wait3A_588 = arith.constant 1 : i32
    %dma_wait3A_589 = arith.constant 0 : i32
    %dma_wait3A_590 = tpu.memref_slice %arg10[%dma_wait3A_587, %dma_wait3A_589] : memref<6x80xi32, #tpu.memory_space<vmem>> -> memref<1x80xi32, #tpu.memory_space<vmem>>
    %dma_wait3A_591 = tpu.memref_squeeze %dma_wait3A_590 : memref<1x80xi32, #tpu.memory_space<vmem>> -> memref<80xi32, #tpu.memory_space<vmem>>
    %dma_wait3A_592 = arith.constant 0 : i32
    %dma_wait3A_593 = tpu.memref_slice %arg8[%dma_wait3A_592] : memref<10240xf32, #tpu.memory_space<vmem_shared>> -> memref<10240xf32, #tpu.memory_space<vmem_shared>>
    %dma_wait3A_594 = tpu.memref_slice %arg15[%dma_wait3A_588] : memref<4x!tpu.dma_semaphore, #tpu.memory_space<semaphore_mem>> -> memref<1x!tpu.dma_semaphore, #tpu.memory_space<semaphore_mem>>
    %dma_wait3A_595 = tpu.memref_squeeze %dma_wait3A_594 : memref<1x!tpu.dma_semaphore, #tpu.memory_space<semaphore_mem>> -> memref<!tpu.dma_semaphore, #tpu.memory_space<semaphore_mem>>
    tpu.wait_indirect_dma semaphore(%dma_wait3A_595 : memref<!tpu.dma_semaphore, #tpu.memory_space<semaphore_mem>>) src(%arg12 : memref<80xf32, #tpu.memory_space<vmem>>) dst(%dma_wait3A_593 : memref<10240xf32, #tpu.memory_space<vmem_shared>>)
    %dma_wait3A_596 = arith.constant 2 : i32
    %dma_wait3A_597 = arith.constant 0 : i32
    %dma_wait3A_598 = arith.constant 2 : i32
    %dma_wait3A_599 = arith.constant 0 : i32
    %dma_wait3A_600 = arith.constant 0 : i32
    %dma_wait3A_601 = tpu.memref_slice %arg11[%dma_wait3A_596, %dma_wait3A_599, %dma_wait3A_600] : memref<4x80x128xf32, #tpu.memory_space<vmem>> -> memref<1x80x128xf32, #tpu.memory_space<vmem>>
    %dma_wait3A_602 = tpu.memref_squeeze %dma_wait3A_601 : memref<1x80x128xf32, #tpu.memory_space<vmem>> -> memref<80x128xf32, #tpu.memory_space<vmem>>
    %dma_wait3A_603 = arith.constant 0 : i32
    %dma_wait3A_604 = tpu.memref_slice %arg10[%dma_wait3A_597, %dma_wait3A_603] : memref<6x80xi32, #tpu.memory_space<vmem>> -> memref<1x80xi32, #tpu.memory_space<vmem>>
    %dma_wait3A_605 = tpu.memref_squeeze %dma_wait3A_604 : memref<1x80xi32, #tpu.memory_space<vmem>> -> memref<80xi32, #tpu.memory_space<vmem>>
    %dma_wait3A_606 = arith.constant 0 : i32
    %dma_wait3A_607 = arith.constant 0 : i32
    %dma_wait3A_608 = tpu.memref_slice %arg7[%dma_wait3A_606, %dma_wait3A_607] : memref<10240x128xf32, #tpu.memory_space<vmem_shared>> -> memref<10240x128xf32, #tpu.memory_space<vmem_shared>>
    %dma_wait3A_609 = tpu.memref_slice %arg15[%dma_wait3A_598] : memref<4x!tpu.dma_semaphore, #tpu.memory_space<semaphore_mem>> -> memref<1x!tpu.dma_semaphore, #tpu.memory_space<semaphore_mem>>
    %dma_wait3A_610 = tpu.memref_squeeze %dma_wait3A_609 : memref<1x!tpu.dma_semaphore, #tpu.memory_space<semaphore_mem>> -> memref<!tpu.dma_semaphore, #tpu.memory_space<semaphore_mem>>
    tpu.wait_indirect_dma semaphore(%dma_wait3A_610 : memref<!tpu.dma_semaphore, #tpu.memory_space<semaphore_mem>>) src(%dma_wait3A_602 : memref<80x128xf32, #tpu.memory_space<vmem>>) dst(%dma_wait3A_608 : memref<10240x128xf32, #tpu.memory_space<vmem_shared>>)
    %dma_wait3A_611 = arith.constant 0 : i32
    %dma_wait3A_612 = arith.constant 2 : i32
    %dma_wait3A_613 = arith.constant 0 : i32
    %dma_wait3A_614 = tpu.memref_slice %arg10[%dma_wait3A_611, %dma_wait3A_613] : memref<6x80xi32, #tpu.memory_space<vmem>> -> memref<1x80xi32, #tpu.memory_space<vmem>>
    %dma_wait3A_615 = tpu.memref_squeeze %dma_wait3A_614 : memref<1x80xi32, #tpu.memory_space<vmem>> -> memref<80xi32, #tpu.memory_space<vmem>>
    %dma_wait3A_616 = arith.constant 0 : i32
    %dma_wait3A_617 = tpu.memref_slice %arg8[%dma_wait3A_616] : memref<10240xf32, #tpu.memory_space<vmem_shared>> -> memref<10240xf32, #tpu.memory_space<vmem_shared>>
    %dma_wait3A_618 = tpu.memref_slice %arg15[%dma_wait3A_612] : memref<4x!tpu.dma_semaphore, #tpu.memory_space<semaphore_mem>> -> memref<1x!tpu.dma_semaphore, #tpu.memory_space<semaphore_mem>>
    %dma_wait3A_619 = tpu.memref_squeeze %dma_wait3A_618 : memref<1x!tpu.dma_semaphore, #tpu.memory_space<semaphore_mem>> -> memref<!tpu.dma_semaphore, #tpu.memory_space<semaphore_mem>>
    tpu.wait_indirect_dma semaphore(%dma_wait3A_619 : memref<!tpu.dma_semaphore, #tpu.memory_space<semaphore_mem>>) src(%arg12 : memref<80xf32, #tpu.memory_space<vmem>>) dst(%dma_wait3A_617 : memref<10240xf32, #tpu.memory_space<vmem_shared>>)
    %dma_wait3A_620 = arith.constant 3 : i32
    %dma_wait3A_621 = arith.constant 0 : i32
    %dma_wait3A_622 = arith.constant 3 : i32
    %dma_wait3A_623 = arith.constant 0 : i32
    %dma_wait3A_624 = arith.constant 0 : i32
    %dma_wait3A_625 = tpu.memref_slice %arg11[%dma_wait3A_620, %dma_wait3A_623, %dma_wait3A_624] : memref<4x80x128xf32, #tpu.memory_space<vmem>> -> memref<1x80x128xf32, #tpu.memory_space<vmem>>
    %dma_wait3A_626 = tpu.memref_squeeze %dma_wait3A_625 : memref<1x80x128xf32, #tpu.memory_space<vmem>> -> memref<80x128xf32, #tpu.memory_space<vmem>>
    %dma_wait3A_627 = arith.constant 0 : i32
    %dma_wait3A_628 = tpu.memref_slice %arg10[%dma_wait3A_621, %dma_wait3A_627] : memref<6x80xi32, #tpu.memory_space<vmem>> -> memref<1x80xi32, #tpu.memory_space<vmem>>
    %dma_wait3A_629 = tpu.memref_squeeze %dma_wait3A_628 : memref<1x80xi32, #tpu.memory_space<vmem>> -> memref<80xi32, #tpu.memory_space<vmem>>
    %dma_wait3A_630 = arith.constant 0 : i32
    %dma_wait3A_631 = arith.constant 0 : i32
    %dma_wait3A_632 = tpu.memref_slice %arg7[%dma_wait3A_630, %dma_wait3A_631] : memref<10240x128xf32, #tpu.memory_space<vmem_shared>> -> memref<10240x128xf32, #tpu.memory_space<vmem_shared>>
    %dma_wait3A_633 = tpu.memref_slice %arg15[%dma_wait3A_622] : memref<4x!tpu.dma_semaphore, #tpu.memory_space<semaphore_mem>> -> memref<1x!tpu.dma_semaphore, #tpu.memory_space<semaphore_mem>>
    %dma_wait3A_634 = tpu.memref_squeeze %dma_wait3A_633 : memref<1x!tpu.dma_semaphore, #tpu.memory_space<semaphore_mem>> -> memref<!tpu.dma_semaphore, #tpu.memory_space<semaphore_mem>>
    tpu.wait_indirect_dma semaphore(%dma_wait3A_634 : memref<!tpu.dma_semaphore, #tpu.memory_space<semaphore_mem>>) src(%dma_wait3A_626 : memref<80x128xf32, #tpu.memory_space<vmem>>) dst(%dma_wait3A_632 : memref<10240x128xf32, #tpu.memory_space<vmem_shared>>)
    %dma_wait3A_635 = arith.constant 0 : i32
    %dma_wait3A_636 = arith.constant 3 : i32
    %dma_wait3A_637 = arith.constant 0 : i32
    %dma_wait3A_638 = tpu.memref_slice %arg10[%dma_wait3A_635, %dma_wait3A_637] : memref<6x80xi32, #tpu.memory_space<vmem>> -> memref<1x80xi32, #tpu.memory_space<vmem>>
    %dma_wait3A_639 = tpu.memref_squeeze %dma_wait3A_638 : memref<1x80xi32, #tpu.memory_space<vmem>> -> memref<80xi32, #tpu.memory_space<vmem>>
    %dma_wait3A_640 = arith.constant 0 : i32
    %dma_wait3A_641 = tpu.memref_slice %arg8[%dma_wait3A_640] : memref<10240xf32, #tpu.memory_space<vmem_shared>> -> memref<10240xf32, #tpu.memory_space<vmem_shared>>
    %dma_wait3A_642 = tpu.memref_slice %arg15[%dma_wait3A_636] : memref<4x!tpu.dma_semaphore, #tpu.memory_space<semaphore_mem>> -> memref<1x!tpu.dma_semaphore, #tpu.memory_space<semaphore_mem>>
    %dma_wait3A_643 = tpu.memref_squeeze %dma_wait3A_642 : memref<1x!tpu.dma_semaphore, #tpu.memory_space<semaphore_mem>> -> memref<!tpu.dma_semaphore, #tpu.memory_space<semaphore_mem>>
    tpu.wait_indirect_dma semaphore(%dma_wait3A_643 : memref<!tpu.dma_semaphore, #tpu.memory_space<semaphore_mem>>) src(%arg12 : memref<80xf32, #tpu.memory_space<vmem>>) dst(%dma_wait3A_641 : memref<10240xf32, #tpu.memory_space<vmem_shared>>)
    %dma_wait3A_644 = arith.constant 0 : i32
    %dma_wait3A_645 = arith.constant 0 : i32
    %dma_wait3A_646 = arith.constant 0 : i32
    %dma_wait3A_647 = arith.constant 0 : i32
    %dma_wait3A_648 = arith.constant 0 : i32
    %dma_wait3A_649 = tpu.memref_slice %arg11[%dma_wait3A_644, %dma_wait3A_647, %dma_wait3A_648] : memref<4x80x128xf32, #tpu.memory_space<vmem>> -> memref<1x80x128xf32, #tpu.memory_space<vmem>>
    %dma_wait3A_650 = tpu.memref_squeeze %dma_wait3A_649 : memref<1x80x128xf32, #tpu.memory_space<vmem>> -> memref<80x128xf32, #tpu.memory_space<vmem>>
    %dma_wait3A_651 = arith.constant 0 : i32
    %dma_wait3A_652 = tpu.memref_slice %arg10[%dma_wait3A_645, %dma_wait3A_651] : memref<6x80xi32, #tpu.memory_space<vmem>> -> memref<1x80xi32, #tpu.memory_space<vmem>>
    %dma_wait3A_653 = tpu.memref_squeeze %dma_wait3A_652 : memref<1x80xi32, #tpu.memory_space<vmem>> -> memref<80xi32, #tpu.memory_space<vmem>>
    %dma_wait3A_654 = arith.constant 0 : i32
    %dma_wait3A_655 = arith.constant 0 : i32
    %dma_wait3A_656 = tpu.memref_slice %arg7[%dma_wait3A_654, %dma_wait3A_655] : memref<10240x128xf32, #tpu.memory_space<vmem_shared>> -> memref<10240x128xf32, #tpu.memory_space<vmem_shared>>
    %dma_wait3A_657 = tpu.memref_slice %arg15[%dma_wait3A_646] : memref<4x!tpu.dma_semaphore, #tpu.memory_space<semaphore_mem>> -> memref<1x!tpu.dma_semaphore, #tpu.memory_space<semaphore_mem>>
    %dma_wait3A_658 = tpu.memref_squeeze %dma_wait3A_657 : memref<1x!tpu.dma_semaphore, #tpu.memory_space<semaphore_mem>> -> memref<!tpu.dma_semaphore, #tpu.memory_space<semaphore_mem>>
    tpu.wait_indirect_dma semaphore(%dma_wait3A_658 : memref<!tpu.dma_semaphore, #tpu.memory_space<semaphore_mem>>) src(%dma_wait3A_650 : memref<80x128xf32, #tpu.memory_space<vmem>>) dst(%dma_wait3A_656 : memref<10240x128xf32, #tpu.memory_space<vmem_shared>>)
    %dma_wait3A_659 = arith.constant 0 : i32
    %dma_wait3A_660 = arith.constant 0 : i32
    %dma_wait3A_661 = arith.constant 0 : i32
    %dma_wait3A_662 = tpu.memref_slice %arg10[%dma_wait3A_659, %dma_wait3A_661] : memref<6x80xi32, #tpu.memory_space<vmem>> -> memref<1x80xi32, #tpu.memory_space<vmem>>
    %dma_wait3A_663 = tpu.memref_squeeze %dma_wait3A_662 : memref<1x80xi32, #tpu.memory_space<vmem>> -> memref<80xi32, #tpu.memory_space<vmem>>
    %dma_wait3A_664 = arith.constant 0 : i32
    %dma_wait3A_665 = tpu.memref_slice %arg8[%dma_wait3A_664] : memref<10240xf32, #tpu.memory_space<vmem_shared>> -> memref<10240xf32, #tpu.memory_space<vmem_shared>>
    %dma_wait3A_666 = tpu.memref_slice %arg15[%dma_wait3A_660] : memref<4x!tpu.dma_semaphore, #tpu.memory_space<semaphore_mem>> -> memref<1x!tpu.dma_semaphore, #tpu.memory_space<semaphore_mem>>
    %dma_wait3A_667 = tpu.memref_squeeze %dma_wait3A_666 : memref<1x!tpu.dma_semaphore, #tpu.memory_space<semaphore_mem>> -> memref<!tpu.dma_semaphore, #tpu.memory_space<semaphore_mem>>
    tpu.wait_indirect_dma semaphore(%dma_wait3A_667 : memref<!tpu.dma_semaphore, #tpu.memory_space<semaphore_mem>>) src(%arg12 : memref<80xf32, #tpu.memory_space<vmem>>) dst(%dma_wait3A_665 : memref<10240xf32, #tpu.memory_space<vmem_shared>>)
    %barrier3A_668 = arith.constant 0 : index
    tpu.barrier barrier_id(%barrier3A_668)
    %dma_start3A_669 = arith.constant 0 : i32
    %dma_start3A_670 = tpu.memref_slice %arg14[%dma_start3A_669] : memref<4x!tpu.dma_semaphore, #tpu.memory_space<semaphore_mem>> -> memref<1x!tpu.dma_semaphore, #tpu.memory_space<semaphore_mem>>
    %dma_start3A_671 = tpu.memref_squeeze %dma_start3A_670 : memref<1x!tpu.dma_semaphore, #tpu.memory_space<semaphore_mem>> -> memref<!tpu.dma_semaphore, #tpu.memory_space<semaphore_mem>>
    %dma_start3A_672 = arith.constant 0 : i32
    %dma_start3A_673 = tpu.memref_slice %arg5[%arg0, %multiple_of3A, %dma_start3A_672] : memref<2x10240x128xf32, #tpu.memory_space<hbm>> -> memref<1x640x128xf32, #tpu.memory_space<hbm>>
    %dma_start3A_674 = tpu.memref_squeeze %dma_start3A_673 : memref<1x640x128xf32, #tpu.memory_space<hbm>> -> memref<640x128xf32, #tpu.memory_space<hbm>>
    %dma_start3A_675 = arith.constant 0 : i32
    %dma_start3A_676 = tpu.memref_slice %arg7[%multiple_of3A, %dma_start3A_675] : memref<10240x128xf32, #tpu.memory_space<vmem_shared>> -> memref<640x128xf32, #tpu.memory_space<vmem_shared>>
    tpu.enqueue_dma source(%dma_start3A_676 : memref<640x128xf32, #tpu.memory_space<vmem_shared>>) target(%dma_start3A_674 : memref<640x128xf32, #tpu.memory_space<hbm>>) target_semaphore(%dma_start3A_671 : memref<!tpu.dma_semaphore, #tpu.memory_space<semaphore_mem>>)
    %dma_start3A_677 = arith.constant 0 : i32
    %dma_start3A_678 = tpu.memref_slice %arg14[%dma_start3A_677] : memref<4x!tpu.dma_semaphore, #tpu.memory_space<semaphore_mem>> -> memref<1x!tpu.dma_semaphore, #tpu.memory_space<semaphore_mem>>
    %dma_start3A_679 = tpu.memref_squeeze %dma_start3A_678 : memref<1x!tpu.dma_semaphore, #tpu.memory_space<semaphore_mem>> -> memref<!tpu.dma_semaphore, #tpu.memory_space<semaphore_mem>>
    %dma_start3A_680 = tpu.memref_slice %arg6[%arg0, %multiple_of3A] : memref<2x10240xf32, #tpu.memory_space<hbm>> -> memref<1x640xf32, #tpu.memory_space<hbm>>
    %dma_start3A_681 = tpu.memref_squeeze %dma_start3A_680 : memref<1x640xf32, #tpu.memory_space<hbm>> -> memref<640xf32, #tpu.memory_space<hbm>>
    %dma_start3A_682 = tpu.memref_slice %arg8[%multiple_of3A] : memref<10240xf32, #tpu.memory_space<vmem_shared>> -> memref<640xf32, #tpu.memory_space<vmem_shared>>
    tpu.enqueue_dma source(%dma_start3A_682 : memref<640xf32, #tpu.memory_space<vmem_shared>>) target(%dma_start3A_681 : memref<640xf32, #tpu.memory_space<hbm>>) target_semaphore(%dma_start3A_679 : memref<!tpu.dma_semaphore, #tpu.memory_space<semaphore_mem>>)
    %dma_wait3A_683 = arith.constant 0 : i32
    %dma_wait3A_684 = tpu.memref_slice %arg14[%dma_wait3A_683] : memref<4x!tpu.dma_semaphore, #tpu.memory_space<semaphore_mem>> -> memref<1x!tpu.dma_semaphore, #tpu.memory_space<semaphore_mem>>
    %dma_wait3A_685 = tpu.memref_squeeze %dma_wait3A_684 : memref<1x!tpu.dma_semaphore, #tpu.memory_space<semaphore_mem>> -> memref<!tpu.dma_semaphore, #tpu.memory_space<semaphore_mem>>
    %dma_wait3A_686 = arith.constant 0 : i32
    %dma_wait3A_687 = tpu.memref_slice %arg5[%arg0, %multiple_of3A, %dma_wait3A_686] : memref<2x10240x128xf32, #tpu.memory_space<hbm>> -> memref<1x640x128xf32, #tpu.memory_space<hbm>>
    %dma_wait3A_688 = tpu.memref_squeeze %dma_wait3A_687 : memref<1x640x128xf32, #tpu.memory_space<hbm>> -> memref<640x128xf32, #tpu.memory_space<hbm>>
    %dma_wait3A_689 = arith.constant 0 : i32
    %dma_wait3A_690 = tpu.memref_slice %arg7[%multiple_of3A, %dma_wait3A_689] : memref<10240x128xf32, #tpu.memory_space<vmem_shared>> -> memref<640x128xf32, #tpu.memory_space<vmem_shared>>
    tpu.wait_dma2 semaphore(%dma_wait3A_685 : memref<!tpu.dma_semaphore, #tpu.memory_space<semaphore_mem>>) src(%dma_wait3A_690 : memref<640x128xf32, #tpu.memory_space<vmem_shared>>) dst(%dma_wait3A_688 : memref<640x128xf32, #tpu.memory_space<hbm>>)
    %dma_wait3A_691 = arith.constant 0 : i32
    %dma_wait3A_692 = tpu.memref_slice %arg14[%dma_wait3A_691] : memref<4x!tpu.dma_semaphore, #tpu.memory_space<semaphore_mem>> -> memref<1x!tpu.dma_semaphore, #tpu.memory_space<semaphore_mem>>
    %dma_wait3A_693 = tpu.memref_squeeze %dma_wait3A_692 : memref<1x!tpu.dma_semaphore, #tpu.memory_space<semaphore_mem>> -> memref<!tpu.dma_semaphore, #tpu.memory_space<semaphore_mem>>
    %dma_wait3A_694 = tpu.memref_slice %arg6[%arg0, %multiple_of3A] : memref<2x10240xf32, #tpu.memory_space<hbm>> -> memref<1x640xf32, #tpu.memory_space<hbm>>
    %dma_wait3A_695 = tpu.memref_squeeze %dma_wait3A_694 : memref<1x640xf32, #tpu.memory_space<hbm>> -> memref<640xf32, #tpu.memory_space<hbm>>
    %dma_wait3A_696 = tpu.memref_slice %arg8[%multiple_of3A] : memref<10240xf32, #tpu.memory_space<vmem_shared>> -> memref<640xf32, #tpu.memory_space<vmem_shared>>
    tpu.wait_dma2 semaphore(%dma_wait3A_693 : memref<!tpu.dma_semaphore, #tpu.memory_space<semaphore_mem>>) src(%dma_wait3A_696 : memref<640xf32, #tpu.memory_space<vmem_shared>>) dst(%dma_wait3A_695 : memref<640xf32, #tpu.memory_space<hbm>>)
    return
  }
}

module attributes {stable_mosaic.version = 14 : i64} {
  func.func @_dense_a_body(%arg0: i32, %arg1: memref<2048x128xf32, #tpu.memory_space<vmem>>, %arg2: memref<128x256xf32, #tpu.memory_space<vmem>>, %arg3: memref<1x256xf32, #tpu.memory_space<vmem>>, %arg4: memref<2048x256xf32, #tpu.memory_space<vmem>>) attributes {dimension_semantics = [#tpu.dimension_semantics<arbitrary>], iteration_bounds = array<i64: 5>, scalar_prefetch = 0 : i64, scratch_operands = 0 : i64, tpu.core_type = #tpu.core_type<tc>, window_params = [{transform_indices = @transform_0, window_bounds = array<i64: 2048, 128>}, {pipeline_mode = #tpu.pipeline_mode<synchronous>, transform_indices = @transform_1, window_bounds = array<i64: 128, 256>}, {pipeline_mode = #tpu.pipeline_mode<synchronous>, transform_indices = @transform_2, window_bounds = array<i64: 1, 256>}, {transform_indices = @transform_3, window_bounds = array<i64: 2048, 256>}]} {
    %get3A = arith.constant 0 : index
    %get3A_0 = arith.constant 0 : index
    %get3A_1 = vector.load %arg1[%get3A, %get3A_0] : memref<2048x128xf32, #tpu.memory_space<vmem>>, vector<2048x128xf32>
    %get3A_2 = arith.constant 0 : index
    %get3A_3 = arith.constant 0 : index
    %get3A_4 = vector.load %arg2[%get3A_2, %get3A_3] : memref<128x256xf32, #tpu.memory_space<vmem>>, vector<128x256xf32>
    %dot_general3A = arith.constant dense<0.000000e+00> : vector<2048x256xf32>
    %dot_general3A_5 = tpu.matmul %get3A_1, %get3A_4, %dot_general3A {dimension_numbers = #tpu.dot_dimension_numbers<[1], [0], [0], [1], [0, 0, 1, 1], [], []>, precision = #tpu.contract_precision<fp32>, transpose_lhs_hint = false} : vector<2048x128xf32>, vector<128x256xf32>, vector<2048x256xf32> -> vector<2048x256xf32>
    %get3A_6 = arith.constant 0 : index
    %get3A_7 = arith.constant 0 : index
    %get3A_8 = vector.load %arg3[%get3A_6, %get3A_7] : memref<1x256xf32, #tpu.memory_space<vmem>>, vector<1x256xf32>
    %add3A = vector.broadcast %get3A_8 : vector<1x256xf32> to vector<2048x256xf32>
    %add3A_9 = arith.addf %dot_general3A_5, %add3A : vector<2048x256xf32>
    %swap3A = arith.constant 0 : index
    %swap3A_10 = arith.constant 0 : index
    %swap3A_11 = vector.load %arg4[%swap3A, %swap3A_10] : memref<2048x256xf32, #tpu.memory_space<vmem>>, vector<2048x256xf32>
    tpu.vector_store %arg4[%swap3A, %swap3A_10], %add3A_9 {strides = array<i32>} : memref<2048x256xf32, #tpu.memory_space<vmem>>, vector<2048x256xf32>,
    return
  }
  func.func @transform_0(%arg0: i32) -> (i32, i32) {
    %c0_i32 = arith.constant 0 : i32
    %c0_i32_0 = arith.constant 0 : i32
    return %arg0, %c0_i32 : i32, i32
  }
  func.func @transform_1(%arg0: i32) -> (i32, i32) {
    %c0_i32 = arith.constant 0 : i32
    %c0_i32_0 = arith.constant 0 : i32
    %c0_i32_1 = arith.constant 0 : i32
    return %c0_i32, %c0_i32_0 : i32, i32
  }
  func.func @transform_2(%arg0: i32) -> (i32, i32) {
    %c0_i32 = arith.constant 0 : i32
    %c0_i32_0 = arith.constant 0 : i32
    %c0_i32_1 = arith.constant 0 : i32
    return %c0_i32, %c0_i32_0 : i32, i32
  }
  func.func @transform_3(%arg0: i32) -> (i32, i32) {
    %c0_i32 = arith.constant 0 : i32
    %c0_i32_0 = arith.constant 0 : i32
    return %arg0, %c0_i32 : i32, i32
  }
}

module attributes {stable_mosaic.version = 14 : i64} {
  func.func @_dense_b_body(%arg0: i32, %arg1: memref<2x2048x128xf32, #tpu.memory_space<vmem>>, %arg2: memref<2x2048xf32, #tpu.memory_space<vmem>>, %arg3: memref<2048x256xf32, #tpu.memory_space<vmem>>, %arg4: memref<128x256xf32, #tpu.memory_space<vmem>>, %arg5: memref<2048x256xf32, #tpu.memory_space<vmem>>) attributes {dimension_semantics = [#tpu.dimension_semantics<arbitrary>], iteration_bounds = array<i64: 5>, scalar_prefetch = 0 : i64, scratch_operands = 0 : i64, tpu.core_type = #tpu.core_type<tc>, window_params = [{transform_indices = @transform_0, window_bounds = array<i64: 2, 2048, 128>}, {transform_indices = @transform_1, window_bounds = array<i64: 2, 2048>}, {transform_indices = @transform_2, window_bounds = array<i64: 2048, 256>}, {pipeline_mode = #tpu.pipeline_mode<synchronous>, transform_indices = @transform_3, window_bounds = array<i64: 128, 256>}, {transform_indices = @transform_4, window_bounds = array<i64: 2048, 256>}]} {
    %get3A = arith.constant 0 : index
    %get3A_0 = arith.constant 0 : index
    %get3A_1 = arith.constant 0 : index
    %get3A_2 = vector.load %arg1[%get3A, %get3A_0, %get3A_1] : memref<2x2048x128xf32, #tpu.memory_space<vmem>>, vector<1x2048x128xf32>
    %get3A_3 = vector.shape_cast %get3A_2 : vector<1x2048x128xf32> to vector<2048x128xf32>
    %get3A_4 = arith.constant 1 : index
    %get3A_5 = arith.constant 0 : index
    %get3A_6 = arith.constant 0 : index
    %get3A_7 = vector.load %arg1[%get3A_4, %get3A_5, %get3A_6] : memref<2x2048x128xf32, #tpu.memory_space<vmem>>, vector<1x2048x128xf32>
    %get3A_8 = vector.shape_cast %get3A_7 : vector<1x2048x128xf32> to vector<2048x128xf32>
    %add3A = arith.addf %get3A_3, %get3A_8 : vector<2048x128xf32>
    %get3A_9 = arith.constant 0 : index
    %get3A_10 = arith.constant 0 : index
    %get3A_11 = vector.load %arg2[%get3A_9, %get3A_10] : memref<2x2048xf32, #tpu.memory_space<vmem>>, vector<1x2048xf32>
    %get3A_12 = vector.shape_cast %get3A_11 : vector<1x2048xf32> to vector<2048xf32>
    %get3A_13 = arith.constant 1 : index
    %get3A_14 = arith.constant 0 : index
    %get3A_15 = vector.load %arg2[%get3A_13, %get3A_14] : memref<2x2048xf32, #tpu.memory_space<vmem>>, vector<1x2048xf32>
    %get3A_16 = vector.shape_cast %get3A_15 : vector<1x2048xf32> to vector<2048xf32>
    %add3A_17 = arith.addf %get3A_12, %get3A_16 : vector<2048xf32>
    %jit3A = arith.constant 1.000000e+00 : f32
    %max3A = vector.broadcast %jit3A : f32 to vector<2048xf32>
    %max3A_18 = arith.maximumf %max3A, %add3A_17 : vector<2048xf32>
    %div3A = arith.constant 1.000000e+00 : f32
    %div3A_19 = vector.broadcast %div3A : f32 to vector<2048xf32>
    %div3A_20 = arith.divf %div3A_19, %max3A_18 : vector<2048xf32>
    %broadcast_in_dim3A = vector.shape_cast %div3A_20 : vector<2048xf32> to vector<2048x1xf32>
    %mul3A = vector.broadcast %broadcast_in_dim3A : vector<2048x1xf32> to vector<2048x128xf32>
    %mul3A_21 = arith.mulf %add3A, %mul3A : vector<2048x128xf32>
    %get3A_22 = arith.constant 0 : index
    %get3A_23 = arith.constant 0 : index
    %get3A_24 = vector.load %arg4[%get3A_22, %get3A_23] : memref<128x256xf32, #tpu.memory_space<vmem>>, vector<128x256xf32>
    %dot_general3A = arith.constant dense<0.000000e+00> : vector<2048x256xf32>
    %dot_general3A_25 = tpu.matmul %mul3A_21, %get3A_24, %dot_general3A {dimension_numbers = #tpu.dot_dimension_numbers<[1], [0], [0], [1], [0, 0, 1, 1], [], []>, precision = #tpu.contract_precision<fp32>, transpose_lhs_hint = false} : vector<2048x128xf32>, vector<128x256xf32>, vector<2048x256xf32> -> vector<2048x256xf32>
    %get3A_26 = arith.constant 0 : index
    %get3A_27 = arith.constant 0 : index
    %get3A_28 = vector.load %arg3[%get3A_26, %get3A_27] : memref<2048x256xf32, #tpu.memory_space<vmem>>, vector<2048x256xf32>
    %add3A_29 = arith.addf %dot_general3A_25, %get3A_28 : vector<2048x256xf32>
    %swap3A = arith.constant 0 : index
    %swap3A_30 = arith.constant 0 : index
    %swap3A_31 = vector.load %arg5[%swap3A, %swap3A_30] : memref<2048x256xf32, #tpu.memory_space<vmem>>, vector<2048x256xf32>
    tpu.vector_store %arg5[%swap3A, %swap3A_30], %add3A_29 {strides = array<i32>} : memref<2048x256xf32, #tpu.memory_space<vmem>>, vector<2048x256xf32>,
    return
  }
  func.func @transform_0(%arg0: i32) -> (i32, i32, i32) {
    %c0_i32 = arith.constant 0 : i32
    %c0_i32_0 = arith.constant 0 : i32
    %c0_i32_1 = arith.constant 0 : i32
    return %c0_i32, %arg0, %c0_i32_0 : i32, i32, i32
  }
  func.func @transform_1(%arg0: i32) -> (i32, i32) {
    %c0_i32 = arith.constant 0 : i32
    %c0_i32_0 = arith.constant 0 : i32
    return %c0_i32, %arg0 : i32, i32
  }
  func.func @transform_2(%arg0: i32) -> (i32, i32) {
    %c0_i32 = arith.constant 0 : i32
    %c0_i32_0 = arith.constant 0 : i32
    return %arg0, %c0_i32 : i32, i32
  }
  func.func @transform_3(%arg0: i32) -> (i32, i32) {
    %c0_i32 = arith.constant 0 : i32
    %c0_i32_0 = arith.constant 0 : i32
    %c0_i32_1 = arith.constant 0 : i32
    return %c0_i32, %c0_i32_0 : i32, i32
  }
  func.func @transform_4(%arg0: i32) -> (i32, i32) {
    %c0_i32 = arith.constant 0 : i32
    %c0_i32_0 = arith.constant 0 : i32
    return %arg0, %c0_i32 : i32, i32
  }
}

</mosaic_0001>

<sc_bundles>
// kernel: kernel.5.cloned.1.call-start
scs
__scs_entry_jumppad:
0x0: {  	(pc) =	sbr.rel $0x88, $3  }
0x1: {  	(tag) =	ssettag $0x0;
	lr =	simm.s32 $0x1  }
0x2: {  	[smem:$0x3F9C] =	sst lr;
	_ =	strace $0xD0000000  }
0x3: {  	_ = 	snop  }
0x4: {  	_ = 	snop  }
0x5: {  	_ = 	snop  }
0x6: {  	_ = 	snop  }
0x7: {  	_ = 	snop  }
__scs_overlays_trampoline_lowered:
0x8: {  	[smem:$0x3FAB] =	sst s0  }
0x9: {  	[smem:$0x3FAC] =	sst s1  }
0xa: {  	[smem:$0x3FAD] =	sst s2  }
0xb: {  	[smem:$0x3FAE] =	sst s3  }
0xc: {  	[smem:$0x3FAF] =	sst s4  }
0xd: {  	[smem:$0x3FB0] =	sst s5  }
0xe: {  	[smem:$0x3FB1] =	sst s6  }
0xf: {  	[smem:$0x3FB2] =	sst s7  }
0x10: {  	[smem:$0x3FB3] =	sst s8  }
0x11: {  	[smem:$0x3FB4] =	sst s9;
	s0 =	simm.s32 @!p0 $0x0  }
0x12: {  	s1 =	sld [smem:$0x3F9A];
	s0 =	simm.s32 @p0 $0x1  }
0x13: {  	[smem:$0x3FB5] =	sst s0;
	s0 =	simm.s32 @!p1 $0x0  }
0x14: {  	s2 =	sld [smem:$0x3F99];
	s0 =	simm.s32 @p1 $0x1  }
0x15: {  	[smem:$0x3FB6] =	sst s0;
	s0 =	simm.s32 @!p2 $0x0  }
0x16: {  	s3 =	sld [smem:$0x3FDB];
	s0 =	simm.s32 @p2 $0x1  }
0x17: {  	s4 =	simm.s32 $0x1BF5;
	[smem:$0x3FB8] =	sst s0  }
0x18: {  	s0 =	sld [smem:$0x3F9B];
	_ =	swait.ge [sflag:s4], $0x0  }
0x19: {  	s7 =	sld [smem:$0x3F9C]  }
0x1a: {  	s8 =	sadd.s32 $0xFFFFE003, lr  }
0x1b: {  	s9 =	sadd.s32 $0xFFFFFEF7, lr;
	s5 =	simm.s32 $0xFFFFFFFF;
	p2 =	slt.u32 s8, $0xFFFFF086  }
0x1c: {  	p1 =	slt.u32 s9, $0xF7A;
	s5 =	simm.s32 @!p2 $0x0  }
0x1d: {  	s5 =	simm.s32 @p1 $0x1;
	p0 =	seq.s32 s7, s2  }
0x1e: {  	s7 =	smul.u32 @!p0 $0xF7A, s2;
	p2 =	seq.s32 @!p0 s5, $0x0  }
0x1f: {  	s9 =	smul.u32 $0xF7A, s1;
	s8 =	simm.s32 @!p0 $0x1BF5;
	p2 =	por !p2, p0  }
0x20: {  	[sflag:s8] =	ssyncset.s32 @!p0 $0xFFFFF086;
	s6 =	sadd.s32 @!p0 s3, s7;
	s7 =	simm.s32 @!p0 $0x108  }
0x21: {  	s3 =	sadd.s32 s3, s9;
	s6 =	sadd.s32 @!p0 $0x88, s6;
	s7 =	simm.s32 @p2 $0x1082  }
0x22: {  	[simem:s7], [sflag:s8] =	dma.local @!p0 [hbm:s6], $0xF7A  }
0x23: {  	s9 =	sor.u32 $0xD0000000, s2;
	s6 =	simm.s32 $0x108;
	_ =	swait.ge @!p0 [sflag:s8], $0x0  }
0x24: {  	s3 =	sadd.s32 $0x88, s3;
	s6 =	simm.s32 @!p1 $0x1082;
	[sflag:s4] =	ssyncset.s32 $0xFFFFF086  }
0x25: {  	[simem:s6], [sflag:s4] =	dma.local [hbm:s3], $0xF7A  }
0x26: {  	[smem:$0x3F9C] =	sst s1;
	(tag) =	ssettag s2;
	_ =	strace s9  }
0x27: {  	s1 =	sld [smem:$0x3FAC]  }
0x28: {  	s2 =	sld [smem:$0x3FAD]  }
0x29: {  	s4 =	sld [smem:$0x3FAF]  }
0x2a: {  	p0 =	seq.s32 s5, $0x0;
	s5 =	sld [smem:$0x3FB0]  }
0x2b: {  	s6 =	sld [smem:$0x3FB1]  }
0x2c: {  	s7 =	sld [smem:$0x3FB2]  }
0x2d: {  	s3 =	simm.s32 $0x108;
	s8 =	sld [smem:$0x3FB3]  }
0x2e: {  	s3 =	simm.s32 @!p0 $0x1082;
	s9 =	sld [smem:$0x3FB4]  }
0x2f: {  	lr =	sadd.s32 s0, s3;
	s0 =	sld [smem:$0x3FAB]  }
0x30: {  	s3 =	sld [smem:$0x3FAE]  }
0x31: {  	[smem:$0x3FB7] =	sst s10  }
0x32: {  	s10 =	sld [smem:$0x3FB5];
	_ =	sdelay $0x3  }
0x33: {  	p0 =	seq.s32 s10, $0x1;
	s10 =	sld [smem:$0x3FB7];
	_ =	sdelay $0x3  }
0x34: {  	[smem:$0x3FB7] =	sst s10  }
0x35: {  	s10 =	sld [smem:$0x3FB6];
	_ =	sdelay $0x3  }
0x36: {  	p1 =	seq.s32 s10, $0x1;
	s10 =	sld [smem:$0x3FB7];
	_ =	sdelay $0x3  }
0x37: {  	[smem:$0x3FB7] =	sst s10  }
0x38: {  	s10 =	sld [smem:$0x3FB8]  }
0x39: {  	_ = 	snop;
	(pc) =	sbr.ind lr, $3  }
0x3a: {  	_ = 	snop  }
0x3b: {  	_ = 	snop  }
0x3c: {  	p2 =	seq.s32 s10, $0x1;
	s10 =	sld [smem:$0x3FB7]  }
0x3d: {  	_ =	shalt  }
0x3e: {  	_ =	shalt  }
0x3f: {  	_ =	shalt  }
0x40: {  	_ =	shalt  }
0x41: {  	_ =	shalt  }
0x42: {  	_ =	shalt  }
0x43: {  	_ =	shalt  }
0x44: {  	_ =	shalt  }
0x45: {  	_ =	shalt  }
0x46: {  	_ =	shalt  }
0x47: {  	_ =	shalt  }
0x48: {  	_ =	shalt  }
0x49: {  	_ =	shalt  }
0x4a: {  	_ =	shalt  }
0x4b: {  	_ =	shalt  }
0x4c: {  	_ =	shalt  }
0x4d: {  	_ =	shalt  }
0x4e: {  	_ =	shalt  }
0x4f: {  	_ =	shalt  }
0x50: {  	_ =	shalt  }
0x51: {  	_ =	shalt  }
0x52: {  	_ =	shalt  }
0x53: {  	_ =	shalt  }
0x54: {  	_ =	shalt  }
0x55: {  	_ =	shalt  }
0x56: {  	_ =	shalt  }
0x57: {  	_ =	shalt  }
0x58: {  	_ =	shalt  }
0x59: {  	_ =	shalt  }
0x5a: {  	_ =	shalt  }
0x5b: {  	_ =	shalt  }
0x5c: {  	_ =	shalt  }
0x5d: {  	_ =	shalt  }
0x5e: {  	_ =	shalt  }
0x5f: {  	_ =	shalt  }
0x60: {  	_ =	shalt  }
0x61: {  	_ =	shalt  }
0x62: {  	_ =	shalt  }
0x63: {  	_ =	shalt  }
0x64: {  	_ =	shalt  }
0x65: {  	_ =	shalt  }
0x66: {  	_ =	shalt  }
0x67: {  	_ =	shalt  }
0x68: {  	_ =	shalt  }
0x69: {  	_ =	shalt  }
0x6a: {  	_ =	shalt  }
0x6b: {  	_ =	shalt  }
0x6c: {  	_ =	shalt  }
0x6d: {  	_ =	shalt  }
0x6e: {  	_ =	shalt  }
0x6f: {  	_ =	shalt  }
0x70: {  	_ =	shalt  }
0x71: {  	_ =	shalt  }
0x72: {  	_ =	shalt  }
0x73: {  	_ =	shalt  }
0x74: {  	_ =	shalt  }
0x75: {  	_ =	shalt  }
0x76: {  	_ =	shalt  }
0x77: {  	_ =	shalt  }
0x78: {  	_ =	shalt  }
0x79: {  	_ =	shalt  }
0x7a: {  	_ =	shalt  }
0x7b: {  	_ =	shalt  }
0x7c: {  	_ =	shalt  }
0x7d: {  	_ =	shalt  }
0x7e: {  	_ =	shalt  }
0x7f: {  	_ =	shalt  }
0x80: {  	_ =	shalt  }
0x81: {  	_ =	shalt  }
0x82: {  	_ =	shalt  }
0x83: {  	_ =	shalt  }
0x84: {  	_ =	shalt  }
0x85: {  	_ =	shalt  }
0x86: {  	_ =	shalt  }
0x87: {  	_ =	shalt  }
.Lfunc_end0:
.L_simem_size_0:
called_computation_lowered:
.L_overlay_start_0:
0x88: {  	s2 =	sld [smem:$0x3FD9]  }
0x89: {  	s3 =	sld [smem:$0x3FFE];
	_ =	sdelay $0x1  }
0x8a: {  	s1 =	srdreg.scid  }
0x8b: {  	s0 =	sand.u32 $0x1, s1  }
0x8c: {  	s17 =	sshll.u32 s0, $0xA;
	s2 =	sadd.s32 s3, s2  }
0x8d: {  	s2 =	sadd.s32 s2, s17  }
0x8e: {  	[smem:$0x3FC3] =	sst s2  }
0x8f: {  	_ = 	snop  }
0x90: {  	s2 =	sld [smem:$0x3FC9]  }
0x91: {  	s18 =	sld [smem:$0x3FD0];
	(tm) =	ssettm $0x1  }
0x92: {  	s4 =	sld [smem:$0x3FFB];
	_ =	sdelay $0x3  }
0x93: {  	_ =	strace s4  }
0x94: {  	s4 =	sld [smem:$0x3FFC];
	_ =	sdelay $0x3  }
0x95: {  	_ =	strace s4  }
0x96: {  	s4 =	sld [smem:$0x3FFD];
	_ =	sdelay $0x3  }
0x97: {  	_ =	strace s4  }
0x98: {  	_ =	strace $0x8FFFFFFF  }
0x99: {  	s19 =	sld [smem:$0x3FDB];
	_ =	sdelay $0x1  }
0x9a: {  	s5 =	simm.s32 $_scs_section_size  }
0x9b: {  	s6 =	simm.s32 $_size__tile_overlayer_lowered;
	s7 =	simm.s32 $_tile_overlayer_lowered  }
0x9c: {  	s22 =	simm.s32 $0x1BFF;
	s21 =	sshll.u32 s7, $0x1;
	s4 =	sadd.s32 s5, s19  }
0x9d: {  	s8 =	simm.s32 $0x0;
	s20 =	sshll.u32 s6, $0x1;
	s6 =	sadd.s32 s21, s4  }
0x9e: {  	[timem:s8], [sflag:s22] =	dma.local [hbm:s6], s20  }
0x9f: {  	_ =	swait.ge [sflag:s22], s20  }
0xa0: {  	s5 =	ssub.s32 $0x0, s20;
	[sflag:s22] =	ssyncset.done $0x0  }
0xa1: {  	[sflag:s22] =	ssyncadd.s32 s5;
	_ =	sdelay $0x1  }
0xa2: {  	s23 =	simm.s32 $0x1B8B  }
0xa3: {  	_ =	swait.ge [sflag:s23], $0x1  }
0xa4: {  	[sflag:s23] =	ssyncset.done $0x0  }
0xa5: {  	s25 =	simm.s32 $0x1B8E;
	s24 =	sld [smem:$0x3FFE];
	[sflag:s23] =	ssyncadd.s32 $0xFFFFFFFF  }
0xa6: {  	s26 =	simm.s32 $execute0_lowered;
	[smem:$0x3FD2] =	sst s25  }
0xa7: {  	s6 =	sshll.u32 s26, $0x1;
	_ =	strace $0x80000046;
	[dreg:$0x1] =	wrdreg $0xFFFFFFFF  }
0xa8: {  	s28 =	simm.s32 $_size_execute0_lowered;
	s4 =	sadd.s32 s4, s6;
	[dreg:$0x0] =	wrdreg $0x0  }
0xa9: {  	s6 =	sshll.u32 s28, $0x1;
	[dreg:$0x2] =	wrdreg s4  }
0xaa: {  	[dreg:$0x3] =	wrdreg s6  }
0xab: {  	[dreg:$0x4] =	wrdreg $0xC0  }
0xac: {  	_ =	task [dreg:s8], $0x5FFFF  }
0xad: {  	[dreg:$0x1] =	wrdreg $0xFFFFFFFF  }
0xae: {  	[dreg:$0x0] =	wrdreg $0x60  }
0xaf: {  	[dreg:$0x2] =	wrdreg s2  }
0xb0: {  	[dreg:$0x3] =	wrdreg s24  }
0xb1: {  	[dreg:$0x4] =	wrdreg s18  }
0xb2: {  	[dreg:$0x5] =	wrdreg $0x0  }
0xb3: {  	[dreg:$0x6] =	wrdreg $0x140000  }
0xb4: {  	[dreg:$0x7] =	wrdreg $0x9  }
0xb5: {  	_ =	task.clear_ibuf [dreg:s8], $0x8FFFF;
	_ =	strace $0x90000046  }
0xb6: {  	s29 =	simm.s32 $0x9;
	_ =	strace $0x80000048  }
0xb7: {  	_ =	swait.ge [sflag:s29], $0x1  }
0xb8: {  	[sflag:s29] =	ssyncadd.s32 $0xFFFFFFFF  }
0xb9: {  	_ =	strace $0x90000048  }
0xba: {  	_ =	sfence  }
0xbb: {  	s30 =	sld [smem:$0x0];
	_ =	sdelay $0x2  }
0xbc: {  	s31 =	sshll.u32 s1, $0xD;
	s1 =	sshrl.u32 s1, $0x2  }
0xbd: {  	s3 =	sand.u32 $0x4000, s31;
	s1 =	sadd.s32 s1, s30  }
0xbe: {  	s0 =	sor.u32 s3, s0;
	s1 =	sshll.u32 s1, $0x11  }
0xbf: {  	s0 =	sor.u32 s1, s0  }
0xc0: {  	s0 =	sadd.s32 $0x8F2B, s0  }
0xc1: {  	[sflag:s0] =	ssyncadd.remote.s32 $0x1  }
0xc2: {  	_ =	sfence.sel $0xFFFF  }
0xc3: {  	[dreg:$0x0] =	wrdreg $0xFFFFFFFF;
	(pc) =	sbr.abs _section_cstart, $3  }
0xc4: {  	[dreg:$0x1] =	wrdreg $0xFFFFFFFF  }
0xc5: {  	_ =	task.clear_ibuf [dreg:s8], $0x2FFFF;
	_ =	strace $0x9FFFFFFF  }
0xc6: {  	(tm) =	ssettm $0x7FFFFFFF  }
0xc7: {  	_ =	shalt  }
tec
execute0_lowered:
.L_overlay_start_1:
0x0: {  	(tag) =	ssettag $0x1  }
0x1: {  	s1 =	rddreg [dreg:$0x0]  }
0x2: {  	s0 =	rddreg [dreg:$0x1]  }
0x3: {  	s4 =	rddreg [dreg:$0x2]  }
0x4: {  	s2 =	rddreg [dreg:$0x3];
	s14 =	stileid.u32  }
0x5: {  	s3 =	rddreg [dreg:$0x4];
	s8 =	smul.u32 $0x14000, s14  }
0x6: {  	s5 =	srdreg.scid;
	s21 =	smul.u32 $0x500, s14  }
0x7: {  	s6 =	sand.u32 $0x1, s5;
	s5 =	simm.s32 $0x0;
	s30 =	smul.u32 $0x4E20, s14  }
0x8: {  	s9 =	sadd.s32 $0x1200, s0;
	s10 =	sshll.u32 s14, $0x1;
	s7 =	smul.u32 $0x140000, s6  }
0x9: {  	[smem:$0x7FF] =	sst s5;
	s11 =	sshll.u32 s6, $0x7;
	s10 =	sor.u32 s6, s10  }
0xa: {  	s22 =	ssub.s32 $0x2, s6;
	s6 =	smul.u32 $0x2710, s6;
	_ =	strace $0x80000047  }
0xb: {  	s10 =	smul.u32 $0x2710, s10;
	s12 =	sshrl.u32 s22, $0x1;
	s7 =	sadd.s32 s8, s7  }
0xc: {  	s8 =	sor.u32 s11, s21;
	s6 =	sadd.s32 s6, s30;
	s21 =	simm.s32 $0x1EA80  }
0xd: {  	s7 =	sshrl.u32 s7, $0x3;
	s8 =	sshrl.u32 s8, $0x3;
	s10 =	sshrl.u32 s10, $0x3  }
0xe: {  	[dreg:$0x6] =	wrdreg s21;
	s7 =	sadd.s32 s7, s0;
	s23 =	sadd.s32 s9, s10  }
0xf: {  	s24 =	sadd.s32 s4, s10;
	s25 =	sadd.s32 $0xA, s10;
	[dreg:$0x7] =	wrdreg s23  }
0x10: {  	s0 =	sadd.s32 s8, s0;
	[dreg:$0x8] =	wrdreg s24;
	s26 =	sadd.s32 s9, s25  }
0x11: {  	s28 =	sadd.s32 $0x14, s10;
	s11 =	sadd.s32 s4, s25;
	[dreg:$0x9] =	wrdreg s26  }
0x12: {  	s8 =	ssub.s32 s22, s12;
	s29 =	sadd.s32 s9, s28;
	[dreg:$0xa] =	wrdreg s11  }
0x13: {  	s31 =	sadd.s32 $0x1E, s10;
	s12 =	sadd.s32 s4, s28;
	[dreg:$0xb] =	wrdreg s29  }
0x14: {  	s10 =	sadd.s32 $0x28, s10;
	s15 =	sadd.s32 s9, s31;
	[dreg:$0xc] =	wrdreg s12  }
0x15: {  	s6 =	sadd.s32 $0x190, s6;
	s16 =	sadd.s32 s9, s10;
	[dreg:$0xd] =	wrdreg s15  }
0x16: {  	s6 =	sshrl.u32 s6, $0x3;
	s10 =	sadd.s32 s4, s10;
	[dreg:$0xf] =	wrdreg s16  }
0x17: {  	s20 =	sadd.s32 s6, s9;
	[dreg:$0x10] =	wrdreg s10  }
0x18: {  	s25 =	sadd.s32 $0xB000, s7;
	[dreg:$0x14] =	wrdreg s20  }
0x19: {  	s0 =	sadd.s32 $0x5B000, s0;
	[dreg:$0x17] =	wrdreg s25  }
0x1a: {  	s13 =	smul.u32 $0x50000, s14;
	s12 =	sadd.s32 s4, s31;
	[dreg:$0x18] =	wrdreg s0  }
0x1b: {  	s19 =	smul.u32 $0xA00, s14;
	s4 =	sadd.s32 s6, s4;
	[dreg:$0xe] =	wrdreg s12  }
0x1c: {  	s17 =	sshrl.u32 s13, $0x2;
	s26 =	smax.u32 s8, $0x1;
	[dreg:$0x13] =	wrdreg s4  }
0x1d: {  	s14 =	simm.s32 $0x8;
	s11 =	sadd.s32 s17, s2;
	[dreg:$0x19] =	wrdreg s26  }
0x1e: {  	s23 =	sshrl.u32 s19, $0x2;
	s18 =	sadd.s32 $0x2800, s11;
	[dreg:$0x11] =	wrdreg s11  }
0x1f: {  	s7 =	simm.s32 $0x50;
	s22 =	sadd.s32 $0x5000, s11;
	[dreg:$0x12] =	wrdreg s18  }
0x20: {  	s9 =	simm.s32 $0x14A80;
	s24 =	sadd.s32 $0x7800, s11;
	[dreg:$0x15] =	wrdreg s22  }
0x21: {  	s6 =	sadd.s32 s23, s3;
	s28 =	sadd.s32 $0xA000, s11;
	[dreg:$0x16] =	wrdreg s24  }
0x22: {  	s8 =	simm.s32 $0x14280;
	s29 =	sadd.s32 $0xC800, s11;
	[dreg:$0x1a] =	wrdreg s28  }
0x23: {  	s10 =	simm.s32 $0xF;
	s30 =	sadd.s32 $0xF000, s11;
	[dreg:$0x1b] =	wrdreg s29  }
0x24: {  	s15 =	simm.s32 $0x5;
	s31 =	sadd.s32 $0x11800, s11;
	[dreg:$0x1c] =	wrdreg s30  }
0x25: {  	v0 =	vimm.f32 $1.000000000e+00;
	v1 =	vimm.f32 $0.0e+00;
	s17 =	simm.s32 $0x1;
	s20 =	simm.s32 $0x0;
	[dreg:$0x1d] =	wrdreg s31  }
.LBB2_1:
0x26: {  	s0 =	rddreg [dreg:$0x7]  }
0x27: {  	[tilespmem:s8], [sflag:$0x9] =	stream.linear.gather [hbm4b:s0+s5], $0x50, $0x38;
	[tilespmem:$0x1ED80] =	vst v63  }
0x28: {  	s28 =	rddreg [dreg:$0x8];
	s4 =	simm.s32 $0x14680  }
0x29: {  	[tilespmem:s4], [sflag:$0x9] =	stream.linear.gather [hbm4b:s28+s5], $0x50, $0x38;
	[tilespmem:$0x1ED80] =	vst v63  }
0x2a: {  	s29 =	rddreg [dreg:$0x9];
	s30 =	simm.s32 $0x14300  }
0x2b: {  	[tilespmem:s30], [sflag:$0xA] =	stream.linear.gather [hbm4b:s29+s5], $0x50, $0x38;
	[tilespmem:$0x1ED80] =	vst v63  }
0x2c: {  	s31 =	rddreg [dreg:$0xa];
	s12 =	simm.s32 $0x14700  }
0x2d: {  	[tilespmem:s12], [sflag:$0xA] =	stream.linear.gather [hbm4b:s31+s5], $0x50, $0x38;
	[tilespmem:$0x1ED80] =	vst v63  }
0x2e: {  	s13 =	rddreg [dreg:$0xb];
	s12 =	simm.s32 $0x14380  }
0x2f: {  	[tilespmem:s12], [sflag:$0xB] =	stream.linear.gather [hbm4b:s13+s5], $0x50, $0x38;
	[tilespmem:$0x1ED80] =	vst v63  }
0x30: {  	s16 =	rddreg [dreg:$0xc];
	s13 =	simm.s32 $0x14780  }
0x31: {  	[tilespmem:s13], [sflag:$0xB] =	stream.linear.gather [hbm4b:s16+s5], $0x50, $0x38;
	[tilespmem:$0x1ED80] =	vst v63  }
0x32: {  	s18 =	rddreg [dreg:$0xd];
	s19 =	simm.s32 $0x14400  }
0x33: {  	[tilespmem:s19], [sflag:$0xC] =	stream.linear.gather [hbm4b:s18+s5], $0x50, $0x38;
	[tilespmem:$0x1ED80] =	vst v63  }
0x34: {  	s21 =	rddreg [dreg:$0xe];
	s22 =	simm.s32 $0x14800  }
0x35: {  	[tilespmem:s22], [sflag:$0xC] =	stream.linear.gather [hbm4b:s21+s5], $0x50, $0x38;
	[tilespmem:$0x1ED80] =	vst v63  }
0x36: {  	s23 =	rddreg [dreg:$0xf];
	s24 =	simm.s32 $0x14480  }
0x37: {  	[tilespmem:s24], [sflag:$0xD] =	stream.linear.gather [hbm4b:s23+s5], $0x50, $0x38;
	[tilespmem:$0x1ED80] =	vst v63  }
0x38: {  	s25 =	rddreg [dreg:$0x10];
	s26 =	simm.s32 $0x14880;
	s28 =	simm.s32 $0xA  }
0x39: {  	[tilespmem:s26], [sflag:$0xD] =	stream.linear.gather [hbm4b:s25+s5], $0x50, $0x38;
	[tilespmem:$0x1ED80] =	vst v63  }
0x3a: {  	_ =	swait.ge [sflag:s28], $0x50  }
0x3b: {  	[sflag:s28] =	ssyncset.done $0x0  }
0x3c: {  	[sflag:s28] =	ssyncadd.s32 $0xFFFFFFB0  }
0x3d: {  	_ =	swait.ge [sflag:s28], $0x50  }
0x3e: {  	[sflag:s28] =	ssyncset.done $0x0  }
0x3f: {  	s29 =	simm.s32 $0x17280;
	[sflag:s28] =	ssyncadd.s32 $0xFFFFFFB0  }
0x40: {  	[tilespmem:s29], [sflag:$0x2] =	stream.indirect.gather [hbm4b:s1+s7], $0x80, s30, s7, $0xb8;
	[tilespmem:$0x1ED80] =	vst v63  }
0x41: {  	s30 =	simm.s32 $0xB  }
0x42: {  	_ =	swait.ge [sflag:s30], $0x50  }
0x43: {  	[sflag:s30] =	ssyncset.done $0x0  }
0x44: {  	[sflag:s30] =	ssyncadd.s32 $0xFFFFFFB0  }
0x45: {  	_ =	swait.ge [sflag:s30], $0x50  }
0x46: {  	[sflag:s30] =	ssyncset.done $0x0  }
0x47: {  	s31 =	simm.s32 $0x19A80;
	[sflag:s30] =	ssyncadd.s32 $0xFFFFFFB0  }
0x48: {  	[tilespmem:s31], [sflag:$0x3] =	stream.indirect.gather [hbm4b:s1+s7], $0x80, s12, s7, $0xb8;
	[tilespmem:$0x1ED80] =	vst v63  }
0x49: {  	[tilespmem:$0x1EA80] =	vst v0  }
0x4a: {  	[tilespmem:$0x1EA90] =	vst v0  }
0x4b: {  	[tilespmem:$0x1EAA0] =	vst v0  }
0x4c: {  	[tilespmem:$0x1EAB0] =	vst v0  }
0x4d: {  	[tilespmem:$0x1EAC0] =	vst v0  }
0x4e: {  	[tilespmem:$0x1EB00] =	vst v1  }
0x4f: {  	[tilespmem:$0x1EB10] =	vst v1  }
0x50: {  	[tilespmem:$0x1EB20] =	vst v1  }
0x51: {  	[tilespmem:$0x1EB30] =	vst v1  }
0x52: {  	[tilespmem:$0x1EB40] =	vst v1  }
0x53: {  	[tilespmem:$0x1EB50] =	vst v1  }
0x54: {  	[tilespmem:$0x1EB60] =	vst v1  }
0x55: {  	[tilespmem:$0x1EB70] =	vst v1  }
0x56: {  	[tilespmem:$0x1EB80] =	vst v1  }
0x57: {  	[tilespmem:$0x1EB90] =	vst v1  }
0x58: {  	[tilespmem:$0x1EBA0] =	vst v1  }
0x59: {  	[tilespmem:$0x1EBB0] =	vst v1  }
0x5a: {  	[tilespmem:$0x1EBC0] =	vst v1  }
0x5b: {  	[tilespmem:$0x1EBD0] =	vst v1  }
0x5c: {  	[tilespmem:$0x1EBE0] =	vst v1  }
0x5d: {  	[tilespmem:$0x1EBF0] =	vst v1  }
0x5e: {  	[tilespmem:$0x1EC00] =	vst v1  }
0x5f: {  	[tilespmem:$0x1EC10] =	vst v1  }
0x60: {  	[tilespmem:$0x1EC20] =	vst v1  }
0x61: {  	[tilespmem:$0x1EC30] =	vst v1  }
0x62: {  	[tilespmem:$0x1EC40] =	vst v1  }
0x63: {  	[tilespmem:$0x1EC50] =	vst v1  }
0x64: {  	[tilespmem:$0x1EC60] =	vst v1  }
0x65: {  	[tilespmem:$0x1EC70] =	vst v1  }
0x66: {  	[tilespmem:$0x1EC80] =	vst v1  }
0x67: {  	[tilespmem:$0x1EC90] =	vst v1  }
0x68: {  	[tilespmem:$0x1ECA0] =	vst v1  }
0x69: {  	[tilespmem:$0x1ECB0] =	vst v1  }
0x6a: {  	[tilespmem:$0x1ECC0] =	vst v1  }
0x6b: {  	[tilespmem:$0x1ECD0] =	vst v1  }
0x6c: {  	[tilespmem:$0x1ECE0] =	vst v1  }
0x6d: {  	[tilespmem:$0x1ECF0] =	vst v1  }
0x6e: {  	[tilespmem:$0x1ED00] =	vst v1  }
0x6f: {  	[tilespmem:$0x1ED10] =	vst v1  }
0x70: {  	[tilespmem:$0x1ED20] =	vst v1  }
0x71: {  	[tilespmem:$0x1ED30] =	vst v1  }
0x72: {  	[tilespmem:$0x1ED40] =	vst v1  }
0x73: {  	[tilespmem:$0x1ED50] =	vst v1  }
0x74: {  	[tilespmem:$0x1ED60] =	vst v1  }
0x75: {  	s0 =	simm.s32 $0x70;
	s4 =	simm.s32 $0x3C0;
	[tilespmem:$0x1ED70] =	vst v1  }
.LBB2_2:
0x76: {  	p0 =	sne.s32 s4, $0x9FC0;
	[tilespmem:s0+$0x14A80] =	vst v1  }
0x77: {  	[tilespmem:s0+$0x14A10] =	vst v1  }
0x78: {  	[tilespmem:s0+$0x14A20] =	vst v1  }
.Ltmp0:
0x79: {  	[tilespmem:s0+$0x14A30] =	vst v1;
	(pc) =	sbr.rel @p0 .LBB2_2-.Ltmp0, $4  }
0x7a: {  	[tilespmem:s0+$0x14A40] =	vst v1  }
0x7b: {  	[tilespmem:s0+$0x14A50] =	vst v1  }
0x7c: {  	[tilespmem:s0+$0x14A60] =	vst v1  }
0x7d: {  	[tilespmem:s0+$0x14A70] =	vst v1;
	s0 =	sshra.s32 s4, $0x2;
	s4 =	sadd.s32 $0x200, s4  }
0x7e: {  	[tilespmem:s0+$0x14A80] =	vst v1  }
0x7f: {  	[tilespmem:s0+$0x14A10] =	vst v1  }
0x80: {  	[tilespmem:s0+$0x14A20] =	vst v1  }
0x81: {  	[tilespmem:s0+$0x14A30] =	vst v1  }
0x82: {  	[tilespmem:s0+$0x14A40] =	vst v1  }
0x83: {  	[tilespmem:s0+$0x14A50] =	vst v1  }
0x84: {  	[tilespmem:s0+$0x14A60] =	vst v1  }
0x85: {  	[tilespmem:s0+$0x14A70] =	vst v1  }
0x86: {  	[spmem:s11] =	stream.linear.scatter [tilespmem:s9], [sflag:$0xF], $0x2800, $0x38;
	[tilespmem:$0x1ED80] =	vst v63  }
0x87: {  	_ =	swait.ge [sflag:s10], $0x2800  }
0x88: {  	[sflag:s10] =	ssyncset.done $0x0  }
0x89: {  	s12 =	rddreg [dreg:$0x12];
	[sflag:s10] =	ssyncadd.s32 $0xFFFFD800  }
0x8a: {  	[spmem:s12] =	stream.linear.scatter [tilespmem:s9], [sflag:$0xF], $0x2800, $0x38;
	[tilespmem:$0x1ED80] =	vst v63  }
0x8b: {  	_ =	swait.ge [sflag:s10], $0x2800  }
0x8c: {  	[sflag:s10] =	ssyncset.done $0x0  }
0x8d: {  	s13 =	rddreg [dreg:$0x15];
	[sflag:s10] =	ssyncadd.s32 $0xFFFFD800  }
0x8e: {  	[spmem:s13] =	stream.linear.scatter [tilespmem:s9], [sflag:$0xF], $0x2800, $0x38;
	[tilespmem:$0x1ED80] =	vst v63  }
0x8f: {  	_ =	swait.ge [sflag:s10], $0x2800  }
0x90: {  	[sflag:s10] =	ssyncset.done $0x0  }
0x91: {  	s16 =	rddreg [dreg:$0x16];
	[sflag:s10] =	ssyncadd.s32 $0xFFFFD800  }
0x92: {  	[spmem:s16] =	stream.linear.scatter [tilespmem:s9], [sflag:$0xF], $0x2800, $0x38;
	[tilespmem:$0x1ED80] =	vst v63  }
0x93: {  	_ =	swait.ge [sflag:s10], $0x2800  }
0x94: {  	[sflag:s10] =	ssyncset.done $0x0  }
0x95: {  	s18 =	rddreg [dreg:$0x1a];
	[sflag:s10] =	ssyncadd.s32 $0xFFFFD800  }
0x96: {  	[spmem:s18] =	stream.linear.scatter [tilespmem:s9], [sflag:$0xF], $0x2800, $0x38;
	[tilespmem:$0x1ED80] =	vst v63  }
0x97: {  	_ =	swait.ge [sflag:s10], $0x2800  }
0x98: {  	[sflag:s10] =	ssyncset.done $0x0  }
0x99: {  	s19 =	rddreg [dreg:$0x1b];
	[sflag:s10] =	ssyncadd.s32 $0xFFFFD800  }
0x9a: {  	[spmem:s19] =	stream.linear.scatter [tilespmem:s9], [sflag:$0xF], $0x2800, $0x38;
	[tilespmem:$0x1ED80] =	vst v63  }
0x9b: {  	_ =	swait.ge [sflag:s10], $0x2800  }
0x9c: {  	[sflag:s10] =	ssyncset.done $0x0  }
0x9d: {  	s21 =	rddreg [dreg:$0x1c];
	[sflag:s10] =	ssyncadd.s32 $0xFFFFD800  }
0x9e: {  	[spmem:s21] =	stream.linear.scatter [tilespmem:s9], [sflag:$0xF], $0x2800, $0x38;
	[tilespmem:$0x1ED80] =	vst v63  }
0x9f: {  	_ =	swait.ge [sflag:s10], $0x2800  }
0xa0: {  	[sflag:s10] =	ssyncset.done $0x0  }
0xa1: {  	s22 =	rddreg [dreg:$0x1d];
	[sflag:s10] =	ssyncadd.s32 $0xFFFFD800  }
0xa2: {  	[spmem:s22] =	stream.linear.scatter [tilespmem:s9], [sflag:$0xF], $0x2800, $0x38;
	[tilespmem:$0x1ED80] =	vst v63  }
0xa3: {  	_ =	swait.ge [sflag:s10], $0x2800  }
0xa4: {  	[sflag:s10] =	ssyncset.done $0x0  }
0xa5: {  	s23 =	simm.s32 $0x1EB00;
	[sflag:s10] =	ssyncadd.s32 $0xFFFFD800  }
0xa6: {  	[spmem:s6] =	stream.linear.scatter [tilespmem:s23], [sflag:$0xF], $0x280, $0x38;
	[tilespmem:$0x1ED80] =	vst v63  }
0xa7: {  	s25 =	simm.s32 $0x0;
	_ =	swait.ge [sflag:s10], $0x280  }
0xa8: {  	s4 =	smul.u32 $0xAB, s25;
	[sflag:s10] =	ssyncset.done $0x0  }
0xa9: {  	s24 =	simm.s32 $0x9;
	[sflag:s10] =	ssyncadd.s32 $0xFFFFFD80  }
0xaa: {  	p0 =	por $0x0, $0x0;
	s4 =	sshrl.u32 s4, $0xA;
	_ =	swait.ge [sflag:s24], $0x50  }
0xab: {  	p1 =	por $0x0, $0x0;
	s4 =	sand.u32 $0x3F, s4;
	[sflag:s24] =	ssyncset.done $0x0  }
0xac: {  	p2 =	por @!p0 $0x1, $0x1;
	s4 =	smul.u32 $0x6, s4;
	[sflag:s24] =	ssyncadd.s32 $0xFFFFFFB0  }
0xad: {  	p4 =	por p0, p0;
	p3 =	por p1, p1;
	_ =	swait.ge [sflag:s24], $0x50  }
0xae: {  	p2 =	por p2, p0;
	s4 =	ssub.s32 $0x0, s4;
	[sflag:s24] =	ssyncset.done $0x0  }
0xaf: {  	s4 =	sand.u32 $0xFF, s4;
	s23 =	sand.u32 $0x3, s25;
	[sflag:s24] =	ssyncadd.s32 $0xFFFFFFB0  }
0xb0: {  	[tilespmem:s9], [sflag:$0x1] =	stream.indirect.gather [hbm4b:s1+s7], $0x80, s8, s7, $0xb8;
	[tilespmem:$0x1ED80] =	vst v63  }
0xb1: {  	s26 =	sadd.s32 $0x1, s23;
	s8 =	simm.s32 @!p0 $0x3;
	[bflag:$0x0] =	sbarrier.arrive $0xFFFF  }
0xb2: {  	s13 =	smov.u32 s6;
	s16 =	smul.u32 @!p0 $0xAB, s8;
	_ =	swait.ge [sflag:s26], $0x2800  }
0xb3: {  	s6 =	simm.s32 $0x5;
	s8 =	sand.u32 @!p0 $0x3, s8;
	[sflag:s26] =	ssyncset.done $0x0  }
0xb4: {  	s0 =	sshrl.u32 @!p0 s16, $0xA;
	s16 =	sadd.s32 @!p2 $0x5, s8;
	[sflag:s26] =	ssyncadd.s32 $0xFFFFD800  }
0xb5: {  	s6 =	smul.u32 @!p1 $0xAB, s6;
	s0 =	sand.u32 @!p0 $0x3F, s0;
	_ =	swait.ge @!p2 [sflag:s16], $0x2800  }
0xb6: {  	s21 =	simm.s32 $0x6;
	s0 =	smul.u32 @!p0 $0x6, s0;
	[sflag:s16] =	ssyncset.done @!p2 $0x0  }
0xb7: {  	s25 =	sshll.u32 s4, $0x7;
	s19 =	smul.u32 $0xA000, s23;
	[sflag:s16] =	ssyncadd.s32 @!p2 $0xFFFFD800  }
0xb8: {  	s6 =	sshrl.u32 @!p1 s6, $0xA;
	s0 =	ssub.s32 @!p0 $0x3, s0;
	_ =	swait.ge @!p2 [sflag:s16], $0x50  }
0xb9: {  	s6 =	sand.u32 @!p1 $0x3F, s6;
	s4 =	sand.u32 @!p0 $0xFF, s0;
	[sflag:s16] =	ssyncset.done @!p2 $0x0  }
0xba: {  	s18 =	smul.u32 @!p0 $0xA000, s8;
	s28 =	sadd.s32 @!p0 $0x9, s4;
	[sflag:s16] =	ssyncadd.s32 @!p2 $0xFFFFFFB0  }
0xbb: {  	s22 =	sshrl.u32 s19, $0x2;
	s6 =	smul.u32 @!p1 $0x6, s6;
	_ =	swait.ge @!p0 [sflag:s28], $0x50  }
0xbc: {  	s30 =	sadd.s32 @!p0 $0x1, s8;
	s18 =	sshrl.u32 @!p0 s18, $0x2;
	[sflag:s28] =	ssyncset.done @!p0 $0x0  }
0xbd: {  	s8 =	simm.s32 @!p4 $0x50;
	s29 =	sadd.s32 @!p0 $0x14A80, s18;
	[sflag:s28] =	ssyncadd.s32 @!p0 $0xFFFFFFB0  }
0xbe: {  	s0 =	sshll.u32 @!p0 s4, $0x7;
	s4 =	ssub.s32 @!p1 $0x5, s6;
	_ =	swait.ge @!p4 [sflag:s28], $0x50  }
0xbf: {  	s0 =	sadd.s32 @!p0 $0x14280, s0;
	s16 =	sand.u32 @!p1 $0xFF, s4;
	s31 =	rddreg [dreg:$0x13]  }
0xc0: {  	s4 =	simm.s32 @!p1 $0x0;
	s6 =	sshll.u32 @!p3 s16, $0x7;
	s24 =	rddreg [dreg:$0x14]  }
0xc1: {  	[sflag:s28] =	ssyncset.done @!p4 $0x0;
	s18 =	smov.u32 s31;
	s19 =	smov.u32 s24  }
.LBB2_4:
0xc2: {  	s18 =	sadd.s32 $0xA, s18  }
0xc3: {  	s19 =	sadd.s32 $0xA, s19;
	s26 =	smov.u32 s21;
	s21 =	sadd.s32 $0x1, s21  }
0xc4: {  	s22 =	sadd.s32 $0x14A80, s22;
	s23 =	sadd.s32 $0x5, s23;
	s25 =	sadd.s32 $0x14680, s25  }
0xc5: {  	s16 =	sadd.s32 @!p3 $0x9, s16;
	[sflag:s28] =	ssyncadd.s32 @!p4 $0xFFFFFFB0;
	s12 =	sadd.s32 $0xFFFFFFFB, s26  }
0xc6: {  	[tilespmem:s29], [sflag:s30] =	stream.indirect.gather @!p4 [hbm4b:s1+s8], $0x80, s0, s8, $0xb8;
	[tilespmem:$0x1ED80] =	vst v63  }
0xc7: {  	s11 =	sadd.s32 @!p3 $0x14680, s6;
	s6 =	sadd.s32 @!p3 $0x14280, s6;
	p2 =	sgt.u32 s12, $0x79  }
0xc8: {  	s8 =	rddreg [dreg:$0x6];
	s28 =	smul.u32 $0xAB, s12;
	s0 =	sadd.s32 @!p2 $0xFFFFFFFE, s26  }
0xc9: {  	[spmem:s2] =	stream.indirect.scatter.add.f32 [tilespmem:s22], [sflag:s23], $0x80, s25, s7, $0xb8;
	[tilespmem:$0x1ED80] =	vst v63  }
0xca: {  	p1 =	sgt.u32 s12, $0x77;
	s22 =	sshrl.u32 s28, $0xA;
	s28 =	smul.u32 @!p2 $0xAB, s0  }
0xcb: {  	[spmem:s3] =	stream.indirect.scatter.add.f32 [tilespmem:s8], [sflag:s23], $0x1, s25, s7, $0xb8;
	[tilespmem:$0x1ED80] =	vst v63  }
0xcc: {  	p4 =	seq.s32 @!p2 s26, $0x5;
	s30 =	sand.u32 @!p2 $0x3, s0;
	s23 =	sand.u32 $0x3, s12  }
0xcd: {  	s25 =	sand.u32 $0x3F, s22;
	s8 =	smul.u32 @!p1 $0xAB, s26;
	s22 =	sshrl.u32 @!p2 s28, $0xA  }
0xce: {  	[tilespmem:s6], [sflag:s16] =	stream.linear.gather @!p3 [hbm4b:s24+s4], $0x50, $0x38;
	[tilespmem:$0x1ED80] =	vst v63  }
0xcf: {  	s24 =	smul.u32 $0x6, s25;
	s22 =	sand.u32 @!p2 $0x3F, s22;
	s8 =	sshrl.u32 @!p1 s8, $0xA  }
0xd0: {  	s25 =	sadd.s32 $0x1, s23;
	s6 =	smul.u32 @!p2 $0x6, s22;
	s8 =	sand.u32 @!p1 $0x3F, s8  }
0xd1: {  	[tilespmem:s11], [sflag:s16] =	stream.linear.gather @!p3 [hbm4b:s31+s4], $0x50, $0x38;
	[tilespmem:$0x1ED80] =	vst v63  }
0xd2: {  	s16 =	ssub.s32 s12, s24;
	s11 =	smul.u32 @!p2 $0xA000, s30;
	_ =	swait.ge [sflag:s25], $0x2800  }
0xd3: {  	p3 =	por p4, p2;
	s24 =	smul.u32 $0xA000, s23;
	[sflag:s25] =	ssyncset.done $0x0  }
0xd4: {  	s0 =	ssub.s32 @!p2 s0, s6;
	s6 =	sadd.s32 @!p3 $0x5, s30;
	[sflag:s25] =	ssyncadd.s32 $0xFFFFD800  }
0xd5: {  	p0 =	sne.s32 s21, $0x82;
	s8 =	smul.u32 @!p1 $0x6, s8;
	_ =	swait.ge @!p3 [sflag:s6], $0x2800  }
0xd6: {  	s31 =	smov.u32 s18;
	p4 =	por p2, p2;
	[sflag:s6] =	ssyncset.done @!p3 $0x0  }
0xd7: {  	s4 =	sand.u32 $0xFF, s16;
	s30 =	sadd.s32 @!p2 $0x1, s30;
	[sflag:s6] =	ssyncadd.s32 @!p3 $0xFFFFD800  }
0xd8: {  	s11 =	sshrl.u32 @!p2 s11, $0x2;
	s22 =	sshrl.u32 s24, $0x2;
	_ =	swait.ge @!p3 [sflag:s6], $0x50  }
0xd9: {  	s25 =	sshll.u32 s4, $0x7;
	s4 =	sand.u32 @!p2 $0xFF, s0;
	[sflag:s6] =	ssyncset.done @!p3 $0x0  }
0xda: {  	s24 =	smov.u32 s19;
	s28 =	sadd.s32 @!p2 $0x9, s4;
	[sflag:s6] =	ssyncadd.s32 @!p3 $0xFFFFFFB0  }
.Ltmp1:
0xdb: {  	s29 =	sadd.s32 @!p2 $0x14A80, s11;
	_ =	swait.ge @!p2 [sflag:s28], $0x50;
	(pc) =	sbr.rel @p0 .LBB2_4-.Ltmp1, $4  }
0xdc: {  	s0 =	sshll.u32 @!p2 s4, $0x7;
	s4 =	ssub.s32 @!p1 s26, s8;
	[sflag:s28] =	ssyncset.done @!p2 $0x0  }
0xdd: {  	s8 =	simm.s32 @!p4 $0x50;
	s0 =	sadd.s32 @!p2 $0x14280, s0;
	[sflag:s28] =	ssyncadd.s32 @!p2 $0xFFFFFFB0  }
0xde: {  	s16 =	sand.u32 @!p1 $0xFF, s4;
	p3 =	por p1, p1;
	_ =	swait.ge @!p4 [sflag:s28], $0x50  }
0xdf: {  	s4 =	simm.s32 @!p1 $0x0;
	s6 =	sshll.u32 @!p3 s16, $0x7;
	[sflag:s28] =	ssyncset.done @!p4 $0x0  }
0xe0: {  	[sflag:s28] =	ssyncadd.s32 @!p4 $0xFFFFFFB0  }
0xe1: {  	[tilespmem:s29], [sflag:s30] =	stream.indirect.gather @!p4 [hbm4b:s1+s8], $0x80, s0, s8, $0xb8;
	[tilespmem:$0x1ED80] =	vst v63  }
0xe2: {  	s18 =	sadd.s32 $0x14A80, s22;
	s19 =	sadd.s32 $0x5, s23;
	s11 =	sadd.s32 $0x14680, s25  }
0xe3: {  	[spmem:s2] =	stream.indirect.scatter.add.f32 [tilespmem:s18], [sflag:s19], $0x80, s11, s7, $0xb8;
	[tilespmem:$0x1ED80] =	vst v63  }
0xe4: {  	s12 =	rddreg [dreg:$0x6]  }
0xe5: {  	[spmem:s3] =	stream.indirect.scatter.add.f32 [tilespmem:s12], [sflag:s19], $0x1, s11, s7, $0xb8;
	[tilespmem:$0x1ED80] =	vst v63  }
0xe6: {  	s0 =	sadd.s32 @!p3 $0x9, s16;
	s8 =	sadd.s32 @!p3 $0x14280, s6  }
0xe7: {  	[tilespmem:s8], [sflag:s0] =	stream.linear.gather @!p3 [hbm4b:s24+s4], $0x50, $0x38;
	[tilespmem:$0x1ED80] =	vst v63  }
0xe8: {  	s21 =	simm.s32 $0x6;
	s6 =	sadd.s32 @!p3 $0x14680, s6  }
0xe9: {  	[tilespmem:s6], [sflag:s0] =	stream.linear.gather @!p3 [hbm4b:s31+s4], $0x50, $0x38;
	[tilespmem:$0x1ED80] =	vst v63  }
0xea: {  	_ =	swait.ge [sflag:s21], $0x2800  }
0xeb: {  	[sflag:s21] =	ssyncset.done $0x0  }
0xec: {  	[sflag:s21] =	ssyncadd.s32 $0xFFFFD800  }
0xed: {  	_ =	swait.ge [sflag:s21], $0x50  }
0xee: {  	[sflag:s21] =	ssyncset.done $0x0  }
0xef: {  	s22 =	simm.s32 $0x7;
	[sflag:s21] =	ssyncadd.s32 $0xFFFFFFB0  }
0xf0: {  	_ =	swait.ge [sflag:s22], $0x2800  }
0xf1: {  	[sflag:s22] =	ssyncset.done $0x0  }
0xf2: {  	[sflag:s22] =	ssyncadd.s32 $0xFFFFD800  }
0xf3: {  	_ =	swait.ge [sflag:s22], $0x50  }
0xf4: {  	[sflag:s22] =	ssyncset.done $0x0  }
0xf5: {  	[sflag:s22] =	ssyncadd.s32 $0xFFFFFFB0  }
0xf6: {  	_ =	swait.ge [sflag:s14], $0x2800  }
0xf7: {  	[sflag:s14] =	ssyncset.done $0x0  }
0xf8: {  	[sflag:s14] =	ssyncadd.s32 $0xFFFFD800  }
0xf9: {  	_ =	swait.ge [sflag:s14], $0x50  }
0xfa: {  	[sflag:s14] =	ssyncset.done $0x0  }
0xfb: {  	[sflag:s14] =	ssyncadd.s32 $0xFFFFFFB0  }
0xfc: {  	_ =	swait.ge [sflag:s15], $0x2800  }
0xfd: {  	[sflag:s15] =	ssyncset.done $0x0  }
0xfe: {  	[sflag:s15] =	ssyncadd.s32 $0xFFFFD800  }
0xff: {  	_ =	swait.ge [sflag:s15], $0x50  }
0x100: {  	[sflag:s15] =	ssyncset.done $0x0  }
0x101: {  	[sflag:s15] =	ssyncadd.s32 $0xFFFFFFB0  }
0x102: {  	s23 =	stileid.u32;
	[bflag:$0x0] =	sbarrier.arrive $0xFFFF  }
0x103: {  	s26 =	sshrl.u32 s13, $0x3;
	s0 =	sshll.u32 s23, $0x6;
	s11 =	rddreg [dreg:$0x11]  }
0x104: {  	s0 =	sor.u32 $0x1C01, s0;
	s25 =	rddreg [dreg:$0x17];
	s24 =	sshrl.u32 s11, $0x3  }
0x105: {  	[hbm:s25], [sflag:s0] =	dma.local [spmem:s24], $0x2800  }
0x106: {  	s29 =	simm.s32 $0x20;
	s30 =	simm.s32 $0x10;
	s28 =	rddreg [dreg:$0x18]  }
0x107: {  	[hbm:s28@s29], [sflag:s0] =	dma.strided [spmem:s26@s30], $0x50, s17, $0x10   }
0x108: {  	_ =	swait.ge [sflag:s17], $0x2800  }
0x109: {  	[sflag:s17] =	ssyncset.done $0x0  }
0x10a: {  	[sflag:s17] =	ssyncadd.s32 $0xFFFFD800  }
0x10b: {  	_ =	swait.ge [sflag:s17], $0x50  }
0x10c: {  	s20 =	sadd.s32 $0x1, s20;
	s31 =	rddreg [dreg:$0x19]  }
0x10d: {  	p0 =	sne.s32 s20, s31  }
.Ltmp2:
0x10e: {  	_ = 	snop;
	(pc) =	sbr.rel @p0 .LBB2_1-.Ltmp2, $3  }
0x10f: {  	_ =	sdelay $0x1  }
0x110: {  	[sflag:s17] =	ssyncset.done $0x0  }
0x111: {  	s8 =	simm.s32 $0x14280;
	s6 =	smov.u32 s13;
	[sflag:s17] =	ssyncadd.s32 $0xFFFFFFB0  }
0x112: {  	_ =	sfence.sel $0x180000  }
0x113: {  	[bflag:$0x0] =	sbarrier.arrive $0xFFFF  }
0x114: {  	_ =	strace $0x90000047  }
0x115: {  	s0 =	stileid.u32;
	[bflag:$0x2] =	sbarrier.arrive $0xFFFF  }
0x116: {  	p0 =	sne.s32 s0, $0x0;
	s0 =	rddreg [dreg:$0x5]  }
0x117: {  	s0 =	sadd.s32 @!p0 $0x100000, s0  }
0x118: {  	[sflag:s0] =	ssyncadd.tile.s32 @!p0 $0x1;
	_ =	shalt  }
.Lfunc_end2:
_tile_overlayer_lowered:
.L_overlay_start_2:
0x119: {  	(tag) =	ssettag $0x2  }
0x11a: {  	s0 =	rddreg [dreg:$0x0];
	s2 =	stileid.u32  }
0x11b: {  	s1 =	rddreg [dreg:$0x1];
	p0 =	sne.s32 s2, $0x0  }
0x11c: {  	s3 =	rddreg [dreg:$0x2];
	[bflag:$0x3] =	sbarrier.arrive $0xFFFF;
	s2 =	simm.s32 @!p0 $0x1C0F  }
0x11d: {  	[timem:s3], [sflag:s2] =	dma.local @!p0 [hbm:s0], s1  }
0x11e: {  	s0 =	simm.s32 @!p0 $0xF  }
0x11f: {  	_ =	swait.ge @!p0 [sflag:s0], s1  }
0x120: {  	s1 =	ssub.s32 @!p0 $0x0, s1;
	[sflag:s0] =	ssyncset.done @!p0 $0x0  }
0x121: {  	[sflag:s0] =	ssyncadd.s32 @!p0 s1  }
0x122: {  	[bflag:$0x3] =	sbarrier.arrive $0xFFFF  }
0x123: {  	_ =	shalt  }

</sc_bundles>
